<compile_context>
chip_gen: v7x
topology: tpu7x:2x2x1
jax: 0.10.2.dev20260603
libtpu: 0.0.44.dev20260713+nightly
codegen_flags: <defaults>
</compile_context>

<pallas_src>
import jax
import jax.numpy as jnp
from jax import lax
from jax.experimental import pallas as pl
from jax.experimental.pallas import tpu as pltpu
from jax.experimental.pallas import tpu_sc as plsc

N = 10000
E = 320000
H = 8
HD = 16
AUG = 144
ALW = 16
ALPHA = 0.2

NC = 2
NS = 16
NW = NC * NS
EPW = E // NW
C = 80
NCHUNK = EPW // C
RPT = N // NS
RQ = 25
NQ = RPT // RQ


def _tc_prep(x_ref, wt_ref, a1p_ref, a2p_ref, haug_ref, alph_ref):
    h = jnp.dot(x_ref[...], wt_ref[...], preferred_element_type=jnp.float32)
    al2 = jnp.dot(h, a2p_ref[...], preferred_element_type=jnp.float32)
    haug_ref[...] = jnp.concatenate([h, al2], axis=1)
    alph_ref[...] = jnp.dot(h, a1p_ref[...], preferred_element_type=jnp.float32)


def _tc_combine(pa_ref, pb_ref, haug_ref, exp_ref, out_ref):
    a = pa_ref[...]
    b = pb_ref[...]
    num = a[:, :128] + b[:, :128]
    den8 = a[:, 128:136] + b[:, 128:136]
    deg = a[:, 136:137] + b[:, 136:137]
    denf = jnp.dot(den8 + (jnp.float32(N) - deg), exp_ref[...],
                   preferred_element_type=jnp.float32)
    h = haug_ref[...][:, :128]
    out_ref[...] = jnp.where(deg > 0, num / denf, h)


def _sc_edges(haug_hbm, alph_hbm, ei_hbm, ea_hbm, out_hbm,
              acc, sdbuf0, sdbuf1, sdbuf2, eabuf, a1buf, hdbuf, paybuf,
              semsd0, semsd1, semsd2, semea0, semea1,
              semhd0, semhd1, sema10, sema11, sempay):
    c = lax.axis_index("c")
    s = lax.axis_index("s")
    wid = s * NC + c
    sdbuf = (sdbuf0, sdbuf1, sdbuf2)
    semsd = (semsd0, semsd1, semsd2)
    semea = (semea0, semea1)
    semhd = (semhd0, semhd1)
    sema1 = (sema10, sema11)

    z16 = jnp.zeros((16,), jnp.float32)

    def zero_paybuf(i, carry):
        for j in range(0, AUG, 16):
            paybuf[i, pl.ds(j, 16)] = z16
        return carry

    lax.fori_loop(0, C, zero_paybuf, 0)

    def zero_acc(q, carry):
        pltpu.make_async_copy(paybuf.at[pl.ds(0, RQ)],
                              acc.at[pl.ds(s * RPT + q * RQ, RQ)],
                              semsd0).start()
        return carry

    def zero_drain(q, carry):
        pltpu.make_async_copy(paybuf.at[pl.ds(0, RQ)],
                              acc.at[pl.ds(s * RPT + q * RQ, RQ)],
                              semsd0).wait()
        return carry

    lax.fori_loop(0, NQ, zero_acc, 0)
    lax.fori_loop(0, NQ, zero_drain, 0)
    plsc.subcore_barrier()

    ebase = wid * EPW
    iota16 = lax.iota(jnp.int32, 16)

    def lin_sd(ci, s3):
        cb = ebase + ci * C
        return pltpu.make_async_copy(ei_hbm.at[:, pl.ds(cb, C)],
                                     sdbuf[s3], semsd[s3])

    def lin_ea(ci, s2):
        cb = ebase + ci * C
        return pltpu.make_async_copy(ea_hbm.at[pl.ds(cb, C)],
                                     eabuf.at[pl.ds(s2 * C, C)], semea[s2])

    def gather_hd(s3, s2):
        return pltpu.make_async_copy(haug_hbm.at[sdbuf[s3].at[1]],
                                     hdbuf.at[pl.ds(s2 * C, C)], semhd[s2])

    def gather_a1(s3, s2):
        return pltpu.make_async_copy(alph_hbm.at[sdbuf[s3].at[0]],
                                     a1buf.at[pl.ds(s2 * C, C)], sema1[s2])

    def scat(s3):
        return pltpu.make_async_copy(paybuf, acc.at[sdbuf[s3].at[0]], sempay)

    def col(k):
        return jnp.full((16,), k, jnp.int32)

    def compute(off):
        def grp(g, carry):
            pidx = g * 16 + iota16
            eidx = pidx + off

            ea_k = [plsc.load_gather(eabuf, [eidx, col(k)])
                    for k in range(HD)]

            def head(hh, carry2):
                base = hh * 16
                a1v = plsc.load_gather(a1buf, [eidx, col(0) + hh])
                a2v = plsc.load_gather(hdbuf, [eidx, col(128) + hh])
                sv = a1v + a2v
                sv = jnp.where(sv >= 0, sv, ALPHA * sv)
                hvals = [plsc.load_gather(hdbuf, [eidx, col(k) + base])
                         for k in range(HD)]
                prods = [ea_k[k] * hvals[k] for k in range(HD)]
                while len(prods) > 1:
                    prods = [prods[i] + prods[i + 1]
                             for i in range(0, len(prods), 2)]
                pv = jnp.exp(sv + prods[0])
                for k in range(HD):
                    plsc.store_scatter(paybuf, [pidx, col(k) + base],
                                       pv * hvals[k])
                plsc.store_scatter(paybuf, [pidx, col(128) + hh], pv)
                return carry2

            lax.fori_loop(0, H, head, 0)
            plsc.store_scatter(paybuf, [pidx, col(136)],
                               jnp.ones((16,), jnp.float32))
            return carry

        lax.fori_loop(0, C // 16, grp, 0)

    la = lin_sd(0, 0)
    lb = lin_ea(0, 0)
    la.start()
    lb.start()
    la.wait()
    lb.wait()
    gather_hd(0, 0).start()
    gather_a1(0, 0).start()
    lin_sd(1, 1).start()
    lin_ea(1, 1).start()

    def pipe(ci, carry):
        b2 = lax.rem(ci, 2)
        b3 = lax.rem(ci, 3)
        nxt = ci + 1
        n2 = lax.rem(nxt, 2)
        n3 = lax.rem(nxt, 3)
        p3 = lax.rem(ci + 2, 3)
        f2 = b2

        for v3 in range(3):
            for v2 in range(2):
                @pl.when(jnp.logical_and(
                        nxt < NCHUNK,
                        jnp.logical_and(n3 == v3, n2 == v2)))
                def _(v3=v3, v2=v2):
                    lin_sd(nxt, v3).wait()
                    lin_ea(nxt, v2).wait()
                    gather_hd(v3, v2).start()
                    gather_a1(v3, v2).start()

        for v3 in range(3):
            for v2 in range(2):
                @pl.when(jnp.logical_and(b3 == v3, b2 == v2))
                def _(v3=v3, v2=v2):
                    gather_hd(v3, v2).wait()
                    gather_a1(v3, v2).wait()

        for v3 in range(3):
            @pl.when(jnp.logical_and(ci > 0, p3 == v3))
            def _(v3=v3):
                scat(v3).wait()

        compute(b2 * C)

        for v3 in range(3):
            @pl.when(b3 == v3)
            def _(v3=v3):
                scat(v3).start(add=True)

        for v3 in range(3):
            @pl.when(jnp.logical_and(ci + 2 < NCHUNK, p3 == v3))
            def _(v3=v3):
                lin_sd(ci + 2, v3).start()

        for v2 in range(2):
            @pl.when(jnp.logical_and(ci + 2 < NCHUNK, f2 == v2))
            def _(v2=v2):
                lin_ea(ci + 2, v2).start()

        return carry

    lax.fori_loop(0, NCHUNK, pipe, 0)
    scat((NCHUNK - 1) % 3).wait()

    plsc.subcore_barrier()

    def writeout(q, carry):
        rs = s * RPT + q * RQ
        pltpu.make_async_copy(acc.at[pl.ds(rs, RQ)],
                              out_hbm.at[c, pl.ds(rs, RQ)], semsd0).start()
        return carry

    def writeout_drain(q, carry):
        rs = s * RPT + q * RQ
        pltpu.make_async_copy(acc.at[pl.ds(rs, RQ)],
                              out_hbm.at[c, pl.ds(rs, RQ)], semsd0).wait()
        return carry

    lax.fori_loop(0, NQ, writeout, 0)
    lax.fori_loop(0, NQ, writeout_drain, 0)


def kernel(node_features, edge_index, edge_attr, W, a):
    x = node_features
    a1 = a[:HD, 0]
    a2 = a[HD:, 0]
    eye8 = jnp.eye(H, dtype=jnp.float32)
    A1p = jnp.concatenate(
        [jnp.kron(eye8, a1[:, None]), jnp.zeros((128, ALW - H), jnp.float32)],
        axis=1)
    A2p = jnp.concatenate(
        [jnp.kron(eye8, a2[:, None]),
         jnp.zeros((128, AUG - 128 - H), jnp.float32)], axis=1)
    expand = jnp.kron(eye8, jnp.ones((1, HD), jnp.float32))

    haug, alph = pl.pallas_call(
        _tc_prep,
        grid=(10,),
        in_specs=[
            pl.BlockSpec((1000, 128), lambda i: (i, 0)),
            pl.BlockSpec((128, 128), lambda i: (0, 0)),
            pl.BlockSpec((128, ALW), lambda i: (0, 0)),
            pl.BlockSpec((128, AUG - 128), lambda i: (0, 0)),
        ],
        out_specs=[
            pl.BlockSpec((1000, AUG), lambda i: (i, 0)),
            pl.BlockSpec((1000, ALW), lambda i: (i, 0)),
        ],
        out_shape=[
            jax.ShapeDtypeStruct((N, AUG), jnp.float32),
            jax.ShapeDtypeStruct((N, ALW), jnp.float32),
        ],
    )(x, W.T, A1p, A2p)

    mesh = plsc.VectorSubcoreMesh(core_axis_name="c", subcore_axis_name="s")
    sc_fn = pl.kernel(
        _sc_edges,
        mesh=mesh,
        compiler_params=pltpu.CompilerParams(
            needs_layout_passes=False, use_tc_tiling_on_sc=False),
        out_type=jax.ShapeDtypeStruct((NC, N, AUG), jnp.float32),
        scratch_types=[
            pltpu.VMEM_SHARED((N, AUG), jnp.float32),
            pltpu.VMEM((2, C), jnp.int32),
            pltpu.VMEM((2, C), jnp.int32),
            pltpu.VMEM((2, C), jnp.int32),
            pltpu.VMEM((2 * C, HD), jnp.float32),
            pltpu.VMEM((2 * C, ALW), jnp.float32),
            pltpu.VMEM((2 * C, AUG), jnp.float32),
            pltpu.VMEM((C, AUG), jnp.float32),
        ] + [pltpu.SemaphoreType.DMA] * 10,
    )
    partials = sc_fn(haug, alph, edge_index, edge_attr)

    out = pl.pallas_call(
        _tc_combine,
        grid=(10,),
        in_specs=[
            pl.BlockSpec((1000, AUG), lambda i: (i, 0)),
            pl.BlockSpec((1000, AUG), lambda i: (i, 0)),
            pl.BlockSpec((1000, AUG), lambda i: (i, 0)),
            pl.BlockSpec((8, 128), lambda i: (0, 0)),
        ],
        out_specs=pl.BlockSpec((1000, 128), lambda i: (i, 0)),
        out_shape=jax.ShapeDtypeStruct((N, 128), jnp.float32),
    )(partials[0], partials[1], haug, expand)
    return out

# --- scband reference (transcript-rebuilt; emitter-appended) ---
"""Pipeline reference for scband-graph-attention-layer-481036337930 (READ-ONLY COPY).

The authoritative reference and input builder live on the scoring server;
editing this copy changes nothing except your own understanding.
"""

import jax, jax.numpy as jnp
import numpy as np

N = 10000
E = 320000
IN_DIM = 128
OUT_DIM = 128
H = 8
HD = OUT_DIM // H
ALPHA = 0.2


def setup_inputs(seed: int = 0):
    key = jax.random.key(seed)
    ks = jax.random.split(key, 5)
    node_features = jax.random.normal(ks[0], (N, IN_DIM), dtype=jnp.float32)
    edge_index = jax.random.randint(ks[1], (2, E), 0, N, dtype=jnp.int32)
    edge_attr = jax.random.normal(ks[2], (E, HD), dtype=jnp.float32)
    W = jax.random.normal(ks[3], (OUT_DIM, IN_DIM), dtype=jnp.float32) * (1.0 / np.sqrt(IN_DIM))
    a = jax.random.normal(ks[4], (2 * HD, 1), dtype=jnp.float32) * 0.1
    return {"node_features": node_features, "edge_index": edge_index, "edge_attr": edge_attr, "W": W, "a": a}


def _gat_forward(node_features, edge_attr, W, a, edge_index):
    # h = W x, reshaped to heads
    h = node_features @ W.T
    h = h.reshape(N, H, HD)
    src = edge_index[0]
    dst = edge_index[1]
    h_src = h[src]
    h_dst = h[dst]
    h_concat = jnp.concatenate([h_src, h_dst], axis=-1)  # [E, H, 2*HD]
    scores = jnp.squeeze(h_concat @ a, -1)  # [E, H]
    # LeakyReLU(alpha)
    scores = jnp.where(scores >= 0, scores, ALPHA * scores)
    # edge contribution is active because edge_attr dim == head_dim
    ea = jnp.broadcast_to(edge_attr[:, None, :], (E, H, HD))
    scores = scores + (ea * h_dst).sum(-1)
    # Faithful softmax over a dense [N, N, H] row that is zero at non-edge positions:
    # denom_i = sum_{j in N(i)} exp(s_ij) + (N - deg_i) * exp(0)
    seg_max = jax.ops.segment_max(scores, src, num_segments=N)  # [N, H]
    m = jnp.maximum(seg_max, 0.0)  # row max includes implicit zeros
    exp_s = jnp.exp(scores - m[src])  # [E, H]
    deg = jax.ops.segment_sum(jnp.ones((E,), dtype=jnp.float32), src, num_segments=N)  # [N]
    denom = jax.ops.segment_sum(exp_s, src, num_segments=N) + (jnp.float32(N) - deg)[:, None] * jnp.exp(-m)
    attn = exp_s / denom[src]  # [E, H]  (dropout is identity in eval mode)
    h_out = jax.ops.segment_sum(attn[..., None] * h_dst, src, num_segments=N)  # [N, H, HD]
    # nodes with no outgoing edges keep their transformed features h[i]
    h_out = jnp.where((deg > 0)[:, None, None], h_out, h)
    return h_out.reshape(N, OUT_DIM)


def reference(node_features, edge_index, edge_attr, W, a):
    return _gat_forward(node_features, edge_attr, W, a, edge_index)

if __name__ == "__main__":
    import jax
    _d = setup_inputs()
    print(jax.jit(kernel)(*tuple(_d.values())))

</pallas_src>

<mosaic_0001>
#map = affine_map<(d0, d1) -> (0, 0)>
#map1 = affine_map<(d0, d1) -> (0, 0, 0)>
module attributes {stable_mosaic.version = 14 : i64} {
  func.func @_sc_edges(%arg0: i32, %arg1: i32, %arg2: memref<10000x144xf32, #tpu.memory_space<hbm>>, %arg3: memref<10000x16xf32, #tpu.memory_space<hbm>>, %arg4: memref<2x320000xi32, #tpu.memory_space<hbm>>, %arg5: memref<320000x16xf32, #tpu.memory_space<hbm>>, %arg6: memref<2x10000x144xf32, #tpu.memory_space<hbm>>, %arg7: memref<10000x144xf32, #tpu.memory_space<vmem_shared>>, %arg8: memref<2x80xi32, #tpu.memory_space<vmem>>, %arg9: memref<2x80xi32, #tpu.memory_space<vmem>>, %arg10: memref<2x80xi32, #tpu.memory_space<vmem>>, %arg11: memref<160x16xf32, #tpu.memory_space<vmem>>, %arg12: memref<160x16xf32, #tpu.memory_space<vmem>>, %arg13: memref<160x144xf32, #tpu.memory_space<vmem>>, %arg14: memref<80x144xf32, #tpu.memory_space<vmem>>, %arg15: memref<!tpu.dma_semaphore, #tpu.memory_space<semaphore_mem>>, %arg16: memref<!tpu.dma_semaphore, #tpu.memory_space<semaphore_mem>>, %arg17: memref<!tpu.dma_semaphore, #tpu.memory_space<semaphore_mem>>, %arg18: memref<!tpu.dma_semaphore, #tpu.memory_space<semaphore_mem>>, %arg19: memref<!tpu.dma_semaphore, #tpu.memory_space<semaphore_mem>>, %arg20: memref<!tpu.dma_semaphore, #tpu.memory_space<semaphore_mem>>, %arg21: memref<!tpu.dma_semaphore, #tpu.memory_space<semaphore_mem>>, %arg22: memref<!tpu.dma_semaphore, #tpu.memory_space<semaphore_mem>>, %arg23: memref<!tpu.dma_semaphore, #tpu.memory_space<semaphore_mem>>, %arg24: memref<!tpu.dma_semaphore, #tpu.memory_space<semaphore_mem>>) attributes {dimension_semantics = [#tpu.dimension_semantics<core_parallel>, #tpu.dimension_semantics<subcore_parallel>], iteration_bounds = array<i64: 2, 16>, scalar_prefetch = 0 : i64, scratch_operands = 18 : i64, tpu.core_type = #tpu.core_type<sc_vector_subcore>, window_params = [{transform_indices = #map}, {transform_indices = #map}, {transform_indices = #map}, {transform_indices = #map}, {transform_indices = #map1}]} {
    %mul3A = arith.constant 2 : i32
    %mul3A_0 = arith.muli %arg1, %mul3A : i32
    %add3A = arith.addi %mul3A_0, %arg0 : i32
    %broadcast_in_dim3A = arith.constant 0.000000e+00 : f32
    %broadcast_in_dim3A_1 = vector.broadcast %broadcast_in_dim3A : f32 to vector<16xf32>
    %scan3A = arith.constant 0 : i32
    %scan3A_2 = arith.constant 0 : i32
    %scan3A_3 = arith.constant 80 : i32
    %scan3A_4 = arith.addi %scan3A_2, %scan3A_3 : i32
    %scan3A_5 = arith.constant 1 : i32
    scf.for %scan3A_115 = %scan3A_2 to %scan3A_4 step %scan3A_5  : i32 {
      %swap3A = arith.index_cast %scan3A_115 : i32 to index
      %swap3A_116 = arith.constant 0 : index
      %swap3A_117 = tpu.vector_load %arg14[%swap3A, %swap3A_116] {strides = array<i32>} : memref<80x144xf32, #tpu.memory_space<vmem>>, vector<16xf32>,
      tpu.vector_store %arg14[%swap3A, %swap3A_116], %broadcast_in_dim3A_1 {strides = array<i32>} : memref<80x144xf32, #tpu.memory_space<vmem>>, vector<16xf32>,
      %swap3A_118 = arith.index_cast %scan3A_115 : i32 to index
      %swap3A_119 = arith.constant 16 : index
      %swap3A_120 = tpu.vector_load %arg14[%swap3A_118, %swap3A_119] {strides = array<i32>} : memref<80x144xf32, #tpu.memory_space<vmem>>, vector<16xf32>,
      tpu.vector_store %arg14[%swap3A_118, %swap3A_119], %broadcast_in_dim3A_1 {strides = array<i32>} : memref<80x144xf32, #tpu.memory_space<vmem>>, vector<16xf32>,
      %swap3A_121 = arith.index_cast %scan3A_115 : i32 to index
      %swap3A_122 = arith.constant 32 : index
      %swap3A_123 = tpu.vector_load %arg14[%swap3A_121, %swap3A_122] {strides = array<i32>} : memref<80x144xf32, #tpu.memory_space<vmem>>, vector<16xf32>,
      tpu.vector_store %arg14[%swap3A_121, %swap3A_122], %broadcast_in_dim3A_1 {strides = array<i32>} : memref<80x144xf32, #tpu.memory_space<vmem>>, vector<16xf32>,
      %swap3A_124 = arith.index_cast %scan3A_115 : i32 to index
      %swap3A_125 = arith.constant 48 : index
      %swap3A_126 = tpu.vector_load %arg14[%swap3A_124, %swap3A_125] {strides = array<i32>} : memref<80x144xf32, #tpu.memory_space<vmem>>, vector<16xf32>,
      tpu.vector_store %arg14[%swap3A_124, %swap3A_125], %broadcast_in_dim3A_1 {strides = array<i32>} : memref<80x144xf32, #tpu.memory_space<vmem>>, vector<16xf32>,
      %swap3A_127 = arith.index_cast %scan3A_115 : i32 to index
      %swap3A_128 = arith.constant 64 : index
      %swap3A_129 = tpu.vector_load %arg14[%swap3A_127, %swap3A_128] {strides = array<i32>} : memref<80x144xf32, #tpu.memory_space<vmem>>, vector<16xf32>,
      tpu.vector_store %arg14[%swap3A_127, %swap3A_128], %broadcast_in_dim3A_1 {strides = array<i32>} : memref<80x144xf32, #tpu.memory_space<vmem>>, vector<16xf32>,
      %swap3A_130 = arith.index_cast %scan3A_115 : i32 to index
      %swap3A_131 = arith.constant 80 : index
      %swap3A_132 = tpu.vector_load %arg14[%swap3A_130, %swap3A_131] {strides = array<i32>} : memref<80x144xf32, #tpu.memory_space<vmem>>, vector<16xf32>,
      tpu.vector_store %arg14[%swap3A_130, %swap3A_131], %broadcast_in_dim3A_1 {strides = array<i32>} : memref<80x144xf32, #tpu.memory_space<vmem>>, vector<16xf32>,
      %swap3A_133 = arith.index_cast %scan3A_115 : i32 to index
      %swap3A_134 = arith.constant 96 : index
      %swap3A_135 = tpu.vector_load %arg14[%swap3A_133, %swap3A_134] {strides = array<i32>} : memref<80x144xf32, #tpu.memory_space<vmem>>, vector<16xf32>,
      tpu.vector_store %arg14[%swap3A_133, %swap3A_134], %broadcast_in_dim3A_1 {strides = array<i32>} : memref<80x144xf32, #tpu.memory_space<vmem>>, vector<16xf32>,
      %swap3A_136 = arith.index_cast %scan3A_115 : i32 to index
      %swap3A_137 = arith.constant 112 : index
      %swap3A_138 = tpu.vector_load %arg14[%swap3A_136, %swap3A_137] {strides = array<i32>} : memref<80x144xf32, #tpu.memory_space<vmem>>, vector<16xf32>,
      tpu.vector_store %arg14[%swap3A_136, %swap3A_137], %broadcast_in_dim3A_1 {strides = array<i32>} : memref<80x144xf32, #tpu.memory_space<vmem>>, vector<16xf32>,
      %swap3A_139 = arith.index_cast %scan3A_115 : i32 to index
      %swap3A_140 = arith.constant 128 : index
      %swap3A_141 = tpu.vector_load %arg14[%swap3A_139, %swap3A_140] {strides = array<i32>} : memref<80x144xf32, #tpu.memory_space<vmem>>, vector<16xf32>,
      tpu.vector_store %arg14[%swap3A_139, %swap3A_140], %broadcast_in_dim3A_1 {strides = array<i32>} : memref<80x144xf32, #tpu.memory_space<vmem>>, vector<16xf32>,
    }
    %scan3A_6 = arith.constant 80 : i32
    %scan3A_7 = arith.constant 0 : i32
    %scan3A_8 = arith.constant 0 : i32
    %scan3A_9 = arith.constant 25 : i32
    %scan3A_10 = arith.addi %scan3A_8, %scan3A_9 : i32
    %scan3A_11 = arith.constant 1 : i32
    scf.for %scan3A_115 = %scan3A_8 to %scan3A_10 step %scan3A_11  : i32 {
      %mul3A_116 = arith.constant 625 : i32
      %mul3A_117 = arith.muli %arg1, %mul3A_116 : i32
      %mul3A_118 = arith.constant 25 : i32
      %mul3A_119 = arith.muli %scan3A_115, %mul3A_118 : i32
      %add3A_120 = arith.addi %mul3A_117, %mul3A_119 : i32
      %dma_start3A_121 = arith.constant 0 : i32
      %dma_start3A_122 = arith.constant 0 : i32
      %dma_start3A_123 = tpu.memref_slice %arg14[%dma_start3A_121, %dma_start3A_122] : memref<80x144xf32, #tpu.memory_space<vmem>> -> memref<25x144xf32, #tpu.memory_space<vmem>>
      %dma_start3A_124 = arith.constant 0 : i32
      %dma_start3A_125 = tpu.memref_slice %arg7[%add3A_120, %dma_start3A_124] : memref<10000x144xf32, #tpu.memory_space<vmem_shared>> -> memref<25x144xf32, #tpu.memory_space<vmem_shared>>
      %dma_start3A_126 = arith.constant 0 : i32
      %dma_start3A_127 = tpu.memref_slice %arg7[%add3A_120, %dma_start3A_126] : memref<10000x144xf32, #tpu.memory_space<vmem_shared>> -> memref<25x144xf32, #tpu.memory_space<vmem_shared>>
      %dma_start3A_128 = arith.constant 0 : i32
      %dma_start3A_129 = arith.constant 0 : i32
      %dma_start3A_130 = tpu.memref_slice %arg14[%dma_start3A_128, %dma_start3A_129] : memref<80x144xf32, #tpu.memory_space<vmem>> -> memref<25x144xf32, #tpu.memory_space<vmem>>
      tpu.enqueue_dma source(%dma_start3A_130 : memref<25x144xf32, #tpu.memory_space<vmem>>) target(%dma_start3A_127 : memref<25x144xf32, #tpu.memory_space<vmem_shared>>) target_semaphore(%arg15 : memref<!tpu.dma_semaphore, #tpu.memory_space<semaphore_mem>>)
    }
    %scan3A_12 = arith.constant 25 : i32
    %scan3A_13 = arith.constant 0 : i32
    %scan3A_14 = arith.constant 0 : i32
    %scan3A_15 = arith.constant 25 : i32
    %scan3A_16 = arith.addi %scan3A_14, %scan3A_15 : i32
    %scan3A_17 = arith.constant 1 : i32
    scf.for %scan3A_115 = %scan3A_14 to %scan3A_16 step %scan3A_17  : i32 {
      %mul3A_116 = arith.constant 625 : i32
      %mul3A_117 = arith.muli %arg1, %mul3A_116 : i32
      %mul3A_118 = arith.constant 25 : i32
      %mul3A_119 = arith.muli %scan3A_115, %mul3A_118 : i32
      %add3A_120 = arith.addi %mul3A_117, %mul3A_119 : i32
      %dma_wait3A_121 = arith.constant 0 : i32
      %dma_wait3A_122 = arith.constant 0 : i32
      %dma_wait3A_123 = tpu.memref_slice %arg14[%dma_wait3A_121, %dma_wait3A_122] : memref<80x144xf32, #tpu.memory_space<vmem>> -> memref<25x144xf32, #tpu.memory_space<vmem>>
      %dma_wait3A_124 = arith.constant 0 : i32
      %dma_wait3A_125 = tpu.memref_slice %arg7[%add3A_120, %dma_wait3A_124] : memref<10000x144xf32, #tpu.memory_space<vmem_shared>> -> memref<25x144xf32, #tpu.memory_space<vmem_shared>>
      %dma_wait3A_126 = arith.constant 0 : i32
      %dma_wait3A_127 = tpu.memref_slice %arg7[%add3A_120, %dma_wait3A_126] : memref<10000x144xf32, #tpu.memory_space<vmem_shared>> -> memref<25x144xf32, #tpu.memory_space<vmem_shared>>
      %dma_wait3A_128 = arith.constant 0 : i32
      %dma_wait3A_129 = arith.constant 0 : i32
      %dma_wait3A_130 = tpu.memref_slice %arg14[%dma_wait3A_128, %dma_wait3A_129] : memref<80x144xf32, #tpu.memory_space<vmem>> -> memref<25x144xf32, #tpu.memory_space<vmem>>
      tpu.wait_dma2 semaphore(%arg15 : memref<!tpu.dma_semaphore, #tpu.memory_space<semaphore_mem>>) src(%dma_wait3A_130 : memref<25x144xf32, #tpu.memory_space<vmem>>) dst(%dma_wait3A_127 : memref<25x144xf32, #tpu.memory_space<vmem_shared>>)
    }
    %scan3A_18 = arith.constant 25 : i32
    %barrier3A = arith.constant 0 : index
    tpu.barrier barrier_id(%barrier3A)
    %mul3A_19 = arith.constant 10000 : i32
    %mul3A_20 = arith.muli %add3A, %mul3A_19 : i32
    %iota3A = tpu.iota {dimensions = array<i32: 0>} : vector<16xi32>
    %add3A_21 = arith.constant 0 : i32
    %add3A_22 = arith.addi %mul3A_20, %add3A_21 : i32
    %add3A_23 = arith.constant 0 : i32
    %add3A_24 = arith.addi %mul3A_20, %add3A_23 : i32
    %dma_start3A = arith.constant 0 : i32
    %dma_start3A_25 = tpu.memref_slice %arg4[%dma_start3A, %add3A_22] : memref<2x320000xi32, #tpu.memory_space<hbm>> -> memref<2x80xi32, #tpu.memory_space<hbm>>
    %dma_start3A_26 = arith.constant 0 : i32
    %dma_start3A_27 = tpu.memref_slice %arg4[%dma_start3A_26, %add3A_22] : memref<2x320000xi32, #tpu.memory_space<hbm>> -> memref<2x80xi32, #tpu.memory_space<hbm>>
    tpu.enqueue_dma source(%dma_start3A_27 : memref<2x80xi32, #tpu.memory_space<hbm>>) target(%arg8 : memref<2x80xi32, #tpu.memory_space<vmem>>) target_semaphore(%arg15 : memref<!tpu.dma_semaphore, #tpu.memory_space<semaphore_mem>>)
    %dma_start3A_28 = arith.constant 0 : i32
    %dma_start3A_29 = arith.constant 0 : i32
    %dma_start3A_30 = tpu.memref_slice %arg11[%dma_start3A_28, %dma_start3A_29] : memref<160x16xf32, #tpu.memory_space<vmem>> -> memref<80x16xf32, #tpu.memory_space<vmem>>
    %dma_start3A_31 = arith.constant 0 : i32
    %dma_start3A_32 = tpu.memref_slice %arg5[%add3A_24, %dma_start3A_31] : memref<320000x16xf32, #tpu.memory_space<hbm>> -> memref<80x16xf32, #tpu.memory_space<hbm>>
    %dma_start3A_33 = arith.constant 0 : i32
    %dma_start3A_34 = arith.constant 0 : i32
    %dma_start3A_35 = tpu.memref_slice %arg11[%dma_start3A_33, %dma_start3A_34] : memref<160x16xf32, #tpu.memory_space<vmem>> -> memref<80x16xf32, #tpu.memory_space<vmem>>
    %dma_start3A_36 = arith.constant 0 : i32
    %dma_start3A_37 = tpu.memref_slice %arg5[%add3A_24, %dma_start3A_36] : memref<320000x16xf32, #tpu.memory_space<hbm>> -> memref<80x16xf32, #tpu.memory_space<hbm>>
    tpu.enqueue_dma source(%dma_start3A_37 : memref<80x16xf32, #tpu.memory_space<hbm>>) target(%dma_start3A_35 : memref<80x16xf32, #tpu.memory_space<vmem>>) target_semaphore(%arg18 : memref<!tpu.dma_semaphore, #tpu.memory_space<semaphore_mem>>)
    %dma_wait3A = arith.constant 0 : i32
    %dma_wait3A_38 = tpu.memref_slice %arg4[%dma_wait3A, %add3A_22] : memref<2x320000xi32, #tpu.memory_space<hbm>> -> memref<2x80xi32, #tpu.memory_space<hbm>>
    %dma_wait3A_39 = arith.constant 0 : i32
    %dma_wait3A_40 = tpu.memref_slice %arg4[%dma_wait3A_39, %add3A_22] : memref<2x320000xi32, #tpu.memory_space<hbm>> -> memref<2x80xi32, #tpu.memory_space<hbm>>
    tpu.wait_dma2 semaphore(%arg15 : memref<!tpu.dma_semaphore, #tpu.memory_space<semaphore_mem>>) src(%dma_wait3A_40 : memref<2x80xi32, #tpu.memory_space<hbm>>) dst(%arg8 : memref<2x80xi32, #tpu.memory_space<vmem>>)
    %dma_wait3A_41 = arith.constant 0 : i32
    %dma_wait3A_42 = arith.constant 0 : i32
    %dma_wait3A_43 = tpu.memref_slice %arg11[%dma_wait3A_41, %dma_wait3A_42] : memref<160x16xf32, #tpu.memory_space<vmem>> -> memref<80x16xf32, #tpu.memory_space<vmem>>
    %dma_wait3A_44 = arith.constant 0 : i32
    %dma_wait3A_45 = tpu.memref_slice %arg5[%add3A_24, %dma_wait3A_44] : memref<320000x16xf32, #tpu.memory_space<hbm>> -> memref<80x16xf32, #tpu.memory_space<hbm>>
    %dma_wait3A_46 = arith.constant 0 : i32
    %dma_wait3A_47 = arith.constant 0 : i32
    %dma_wait3A_48 = tpu.memref_slice %arg11[%dma_wait3A_46, %dma_wait3A_47] : memref<160x16xf32, #tpu.memory_space<vmem>> -> memref<80x16xf32, #tpu.memory_space<vmem>>
    %dma_wait3A_49 = arith.constant 0 : i32
    %dma_wait3A_50 = tpu.memref_slice %arg5[%add3A_24, %dma_wait3A_49] : memref<320000x16xf32, #tpu.memory_space<hbm>> -> memref<80x16xf32, #tpu.memory_space<hbm>>
    tpu.wait_dma2 semaphore(%arg18 : memref<!tpu.dma_semaphore, #tpu.memory_space<semaphore_mem>>) src(%dma_wait3A_50 : memref<80x16xf32, #tpu.memory_space<hbm>>) dst(%dma_wait3A_48 : memref<80x16xf32, #tpu.memory_space<vmem>>)
    %dma_start3A_51 = arith.constant 1 : i32
    %dma_start3A_52 = arith.constant 0 : i32
    %dma_start3A_53 = arith.constant 0 : i32
    %dma_start3A_54 = tpu.memref_slice %arg13[%dma_start3A_52, %dma_start3A_53] : memref<160x144xf32, #tpu.memory_space<vmem>> -> memref<80x144xf32, #tpu.memory_space<vmem>>
    %dma_start3A_55 = arith.constant 0 : i32
    %dma_start3A_56 = tpu.memref_slice %arg8[%dma_start3A_51, %dma_start3A_55] : memref<2x80xi32, #tpu.memory_space<vmem>> -> memref<1x80xi32, #tpu.memory_space<vmem>>
    %dma_start3A_57 = tpu.memref_squeeze %dma_start3A_56 : memref<1x80xi32, #tpu.memory_space<vmem>> -> memref<80xi32, #tpu.memory_space<vmem>>
    %dma_start3A_58 = arith.constant 0 : i32
    %dma_start3A_59 = arith.constant 0 : i32
    %dma_start3A_60 = tpu.memref_slice %arg2[%dma_start3A_58, %dma_start3A_59] : memref<10000x144xf32, #tpu.memory_space<hbm>> -> memref<10000x144xf32, #tpu.memory_space<hbm>>
    tpu.enqueue_indirect_dma source(%dma_start3A_60 : memref<10000x144xf32, #tpu.memory_space<hbm>>) target(%dma_start3A_54 : memref<80x144xf32, #tpu.memory_space<vmem>>) offsets(%dma_start3A_57 : memref<80xi32, #tpu.memory_space<vmem>>) semaphore(%arg20 : memref<!tpu.dma_semaphore, #tpu.memory_space<semaphore_mem>>)
    %dma_start3A_61 = arith.constant 0 : i32
    %dma_start3A_62 = arith.constant 0 : i32
    %dma_start3A_63 = arith.constant 0 : i32
    %dma_start3A_64 = tpu.memref_slice %arg12[%dma_start3A_62, %dma_start3A_63] : memref<160x16xf32, #tpu.memory_space<vmem>> -> memref<80x16xf32, #tpu.memory_space<vmem>>
    %dma_start3A_65 = arith.constant 0 : i32
    %dma_start3A_66 = tpu.memref_slice %arg8[%dma_start3A_61, %dma_start3A_65] : memref<2x80xi32, #tpu.memory_space<vmem>> -> memref<1x80xi32, #tpu.memory_space<vmem>>
    %dma_start3A_67 = tpu.memref_squeeze %dma_start3A_66 : memref<1x80xi32, #tpu.memory_space<vmem>> -> memref<80xi32, #tpu.memory_space<vmem>>
    %dma_start3A_68 = arith.constant 0 : i32
    %dma_start3A_69 = arith.constant 0 : i32
    %dma_start3A_70 = tpu.memref_slice %arg3[%dma_start3A_68, %dma_start3A_69] : memref<10000x16xf32, #tpu.memory_space<hbm>> -> memref<10000x16xf32, #tpu.memory_space<hbm>>
    tpu.enqueue_indirect_dma source(%dma_start3A_70 : memref<10000x16xf32, #tpu.memory_space<hbm>>) target(%dma_start3A_64 : memref<80x16xf32, #tpu.memory_space<vmem>>) offsets(%dma_start3A_67 : memref<80xi32, #tpu.memory_space<vmem>>) semaphore(%arg22 : memref<!tpu.dma_semaphore, #tpu.memory_space<semaphore_mem>>)
    %add3A_71 = arith.constant 80 : i32
    %add3A_72 = arith.addi %mul3A_20, %add3A_71 : i32
    %dma_start3A_73 = arith.constant 0 : i32
    %dma_start3A_74 = tpu.memref_slice %arg4[%dma_start3A_73, %add3A_72] : memref<2x320000xi32, #tpu.memory_space<hbm>> -> memref<2x80xi32, #tpu.memory_space<hbm>>
    %dma_start3A_75 = arith.constant 0 : i32
    %dma_start3A_76 = tpu.memref_slice %arg4[%dma_start3A_75, %add3A_72] : memref<2x320000xi32, #tpu.memory_space<hbm>> -> memref<2x80xi32, #tpu.memory_space<hbm>>
    tpu.enqueue_dma source(%dma_start3A_76 : memref<2x80xi32, #tpu.memory_space<hbm>>) target(%arg9 : memref<2x80xi32, #tpu.memory_space<vmem>>) target_semaphore(%arg16 : memref<!tpu.dma_semaphore, #tpu.memory_space<semaphore_mem>>)
    %add3A_77 = arith.constant 80 : i32
    %add3A_78 = arith.addi %mul3A_20, %add3A_77 : i32
    %dma_start3A_79 = arith.constant 80 : i32
    %dma_start3A_80 = arith.constant 0 : i32
    %dma_start3A_81 = tpu.memref_slice %arg11[%dma_start3A_79, %dma_start3A_80] : memref<160x16xf32, #tpu.memory_space<vmem>> -> memref<80x16xf32, #tpu.memory_space<vmem>>
    %dma_start3A_82 = arith.constant 0 : i32
    %dma_start3A_83 = tpu.memref_slice %arg5[%add3A_78, %dma_start3A_82] : memref<320000x16xf32, #tpu.memory_space<hbm>> -> memref<80x16xf32, #tpu.memory_space<hbm>>
    %dma_start3A_84 = arith.constant 80 : i32
    %dma_start3A_85 = arith.constant 0 : i32
    %dma_start3A_86 = tpu.memref_slice %arg11[%dma_start3A_84, %dma_start3A_85] : memref<160x16xf32, #tpu.memory_space<vmem>> -> memref<80x16xf32, #tpu.memory_space<vmem>>
    %dma_start3A_87 = arith.constant 0 : i32
    %dma_start3A_88 = tpu.memref_slice %arg5[%add3A_78, %dma_start3A_87] : memref<320000x16xf32, #tpu.memory_space<hbm>> -> memref<80x16xf32, #tpu.memory_space<hbm>>
    tpu.enqueue_dma source(%dma_start3A_88 : memref<80x16xf32, #tpu.memory_space<hbm>>) target(%dma_start3A_86 : memref<80x16xf32, #tpu.memory_space<vmem>>) target_semaphore(%arg19 : memref<!tpu.dma_semaphore, #tpu.memory_space<semaphore_mem>>)
    %scan3A_89 = arith.constant 0 : i32
    %scan3A_90 = arith.constant 0 : i32
    %scan3A_91 = arith.constant 125 : i32
    %scan3A_92 = arith.addi %scan3A_90, %scan3A_91 : i32
    %scan3A_93 = arith.constant 1 : i32
    scf.for %scan3A_115 = %scan3A_90 to %scan3A_92 step %scan3A_93  : i32 {
      %rem3A = arith.constant 2 : i32
      %rem3A_116 = arith.remsi %scan3A_115, %rem3A : i32
      %rem3A_117 = arith.constant 3 : i32
      %rem3A_118 = arith.remsi %scan3A_115, %rem3A_117 : i32
      %add3A_119 = arith.constant 1 : i32
      %add3A_120 = arith.addi %scan3A_115, %add3A_119 : i32
      %rem3A_121 = arith.constant 2 : i32
      %rem3A_122 = arith.remsi %add3A_120, %rem3A_121 : i32
      %rem3A_123 = arith.constant 3 : i32
      %rem3A_124 = arith.remsi %add3A_120, %rem3A_123 : i32
      %add3A_125 = arith.constant 2 : i32
      %add3A_126 = arith.addi %scan3A_115, %add3A_125 : i32
      %rem3A_127 = arith.constant 3 : i32
      %rem3A_128 = arith.remsi %add3A_126, %rem3A_127 : i32
      %lt3A = arith.constant 125 : i32
      %lt3A_129 = arith.cmpi slt, %add3A_120, %lt3A : i32
      %eq3A = arith.constant 0 : i32
      %eq3A_130 = arith.cmpi eq, %rem3A_124, %eq3A : i32
      %eq3A_131 = arith.constant 0 : i32
      %eq3A_132 = arith.cmpi eq, %rem3A_122, %eq3A_131 : i32
      %and3A = arith.andi %eq3A_130, %eq3A_132 : i1
      %and3A_133 = arith.andi %lt3A_129, %and3A : i1
      %convert_element_type3A = arith.extui %and3A_133 : i1 to i32
      %cond3A = arith.constant 0 : i32
      %cond3A_134 = arith.cmpi ne, %convert_element_type3A, %cond3A : i32
      scf.if %cond3A_134 {
        %mul3A_334 = arith.constant 80 : i32
        %mul3A_335 = arith.muli %add3A_120, %mul3A_334 : i32
        %add3A_336 = arith.addi %mul3A_20, %mul3A_335 : i32
        %dma_wait3A_337 = arith.constant 0 : i32
        %dma_wait3A_338 = tpu.memref_slice %arg4[%dma_wait3A_337, %add3A_336] : memref<2x320000xi32, #tpu.memory_space<hbm>> -> memref<2x80xi32, #tpu.memory_space<hbm>>
        %dma_wait3A_339 = arith.constant 0 : i32
        %dma_wait3A_340 = tpu.memref_slice %arg4[%dma_wait3A_339, %add3A_336] : memref<2x320000xi32, #tpu.memory_space<hbm>> -> memref<2x80xi32, #tpu.memory_space<hbm>>
        tpu.wait_dma2 semaphore(%arg15 : memref<!tpu.dma_semaphore, #tpu.memory_space<semaphore_mem>>) src(%dma_wait3A_340 : memref<2x80xi32, #tpu.memory_space<hbm>>) dst(%arg8 : memref<2x80xi32, #tpu.memory_space<vmem>>)
        %mul3A_341 = arith.constant 80 : i32
        %mul3A_342 = arith.muli %add3A_120, %mul3A_341 : i32
        %add3A_343 = arith.addi %mul3A_20, %mul3A_342 : i32
        %dma_wait3A_344 = arith.constant 0 : i32
        %dma_wait3A_345 = arith.constant 0 : i32
        %dma_wait3A_346 = tpu.memref_slice %arg11[%dma_wait3A_344, %dma_wait3A_345] : memref<160x16xf32, #tpu.memory_space<vmem>> -> memref<80x16xf32, #tpu.memory_space<vmem>>
        %dma_wait3A_347 = arith.constant 0 : i32
        %dma_wait3A_348 = tpu.memref_slice %arg5[%add3A_343, %dma_wait3A_347] : memref<320000x16xf32, #tpu.memory_space<hbm>> -> memref<80x16xf32, #tpu.memory_space<hbm>>
        %dma_wait3A_349 = arith.constant 0 : i32
        %dma_wait3A_350 = arith.constant 0 : i32
        %dma_wait3A_351 = tpu.memref_slice %arg11[%dma_wait3A_349, %dma_wait3A_350] : memref<160x16xf32, #tpu.memory_space<vmem>> -> memref<80x16xf32, #tpu.memory_space<vmem>>
        %dma_wait3A_352 = arith.constant 0 : i32
        %dma_wait3A_353 = tpu.memref_slice %arg5[%add3A_343, %dma_wait3A_352] : memref<320000x16xf32, #tpu.memory_space<hbm>> -> memref<80x16xf32, #tpu.memory_space<hbm>>
        tpu.wait_dma2 semaphore(%arg18 : memref<!tpu.dma_semaphore, #tpu.memory_space<semaphore_mem>>) src(%dma_wait3A_353 : memref<80x16xf32, #tpu.memory_space<hbm>>) dst(%dma_wait3A_351 : memref<80x16xf32, #tpu.memory_space<vmem>>)
        %dma_start3A_354 = arith.constant 1 : i32
        %dma_start3A_355 = arith.constant 0 : i32
        %dma_start3A_356 = arith.constant 0 : i32
        %dma_start3A_357 = tpu.memref_slice %arg13[%dma_start3A_355, %dma_start3A_356] : memref<160x144xf32, #tpu.memory_space<vmem>> -> memref<80x144xf32, #tpu.memory_space<vmem>>
        %dma_start3A_358 = arith.constant 0 : i32
        %dma_start3A_359 = tpu.memref_slice %arg8[%dma_start3A_354, %dma_start3A_358] : memref<2x80xi32, #tpu.memory_space<vmem>> -> memref<1x80xi32, #tpu.memory_space<vmem>>
        %dma_start3A_360 = tpu.memref_squeeze %dma_start3A_359 : memref<1x80xi32, #tpu.memory_space<vmem>> -> memref<80xi32, #tpu.memory_space<vmem>>
        %dma_start3A_361 = arith.constant 0 : i32
        %dma_start3A_362 = arith.constant 0 : i32
        %dma_start3A_363 = tpu.memref_slice %arg2[%dma_start3A_361, %dma_start3A_362] : memref<10000x144xf32, #tpu.memory_space<hbm>> -> memref<10000x144xf32, #tpu.memory_space<hbm>>
        tpu.enqueue_indirect_dma source(%dma_start3A_363 : memref<10000x144xf32, #tpu.memory_space<hbm>>) target(%dma_start3A_357 : memref<80x144xf32, #tpu.memory_space<vmem>>) offsets(%dma_start3A_360 : memref<80xi32, #tpu.memory_space<vmem>>) semaphore(%arg20 : memref<!tpu.dma_semaphore, #tpu.memory_space<semaphore_mem>>)
        %dma_start3A_364 = arith.constant 0 : i32
        %dma_start3A_365 = arith.constant 0 : i32
        %dma_start3A_366 = arith.constant 0 : i32
        %dma_start3A_367 = tpu.memref_slice %arg12[%dma_start3A_365, %dma_start3A_366] : memref<160x16xf32, #tpu.memory_space<vmem>> -> memref<80x16xf32, #tpu.memory_space<vmem>>
        %dma_start3A_368 = arith.constant 0 : i32
        %dma_start3A_369 = tpu.memref_slice %arg8[%dma_start3A_364, %dma_start3A_368] : memref<2x80xi32, #tpu.memory_space<vmem>> -> memref<1x80xi32, #tpu.memory_space<vmem>>
        %dma_start3A_370 = tpu.memref_squeeze %dma_start3A_369 : memref<1x80xi32, #tpu.memory_space<vmem>> -> memref<80xi32, #tpu.memory_space<vmem>>
        %dma_start3A_371 = arith.constant 0 : i32
        %dma_start3A_372 = arith.constant 0 : i32
        %dma_start3A_373 = tpu.memref_slice %arg3[%dma_start3A_371, %dma_start3A_372] : memref<10000x16xf32, #tpu.memory_space<hbm>> -> memref<10000x16xf32, #tpu.memory_space<hbm>>
        tpu.enqueue_indirect_dma source(%dma_start3A_373 : memref<10000x16xf32, #tpu.memory_space<hbm>>) target(%dma_start3A_367 : memref<80x16xf32, #tpu.memory_space<vmem>>) offsets(%dma_start3A_370 : memref<80xi32, #tpu.memory_space<vmem>>) semaphore(%arg22 : memref<!tpu.dma_semaphore, #tpu.memory_space<semaphore_mem>>)
      } else {
      }
      %lt3A_135 = arith.constant 125 : i32
      %lt3A_136 = arith.cmpi slt, %add3A_120, %lt3A_135 : i32
      %eq3A_137 = arith.constant 0 : i32
      %eq3A_138 = arith.cmpi eq, %rem3A_124, %eq3A_137 : i32
      %eq3A_139 = arith.constant 1 : i32
      %eq3A_140 = arith.cmpi eq, %rem3A_122, %eq3A_139 : i32
      %and3A_141 = arith.andi %eq3A_138, %eq3A_140 : i1
      %and3A_142 = arith.andi %lt3A_136, %and3A_141 : i1
      %convert_element_type3A_143 = arith.extui %and3A_142 : i1 to i32
      %cond3A_144 = arith.constant 0 : i32
      %cond3A_145 = arith.cmpi ne, %convert_element_type3A_143, %cond3A_144 : i32
      scf.if %cond3A_145 {
        %mul3A_334 = arith.constant 80 : i32
        %mul3A_335 = arith.muli %add3A_120, %mul3A_334 : i32
        %add3A_336 = arith.addi %mul3A_20, %mul3A_335 : i32
        %dma_wait3A_337 = arith.constant 0 : i32
        %dma_wait3A_338 = tpu.memref_slice %arg4[%dma_wait3A_337, %add3A_336] : memref<2x320000xi32, #tpu.memory_space<hbm>> -> memref<2x80xi32, #tpu.memory_space<hbm>>
        %dma_wait3A_339 = arith.constant 0 : i32
        %dma_wait3A_340 = tpu.memref_slice %arg4[%dma_wait3A_339, %add3A_336] : memref<2x320000xi32, #tpu.memory_space<hbm>> -> memref<2x80xi32, #tpu.memory_space<hbm>>
        tpu.wait_dma2 semaphore(%arg15 : memref<!tpu.dma_semaphore, #tpu.memory_space<semaphore_mem>>) src(%dma_wait3A_340 : memref<2x80xi32, #tpu.memory_space<hbm>>) dst(%arg8 : memref<2x80xi32, #tpu.memory_space<vmem>>)
        %mul3A_341 = arith.constant 80 : i32
        %mul3A_342 = arith.muli %add3A_120, %mul3A_341 : i32
        %add3A_343 = arith.addi %mul3A_20, %mul3A_342 : i32
        %dma_wait3A_344 = arith.constant 80 : i32
        %dma_wait3A_345 = arith.constant 0 : i32
        %dma_wait3A_346 = tpu.memref_slice %arg11[%dma_wait3A_344, %dma_wait3A_345] : memref<160x16xf32, #tpu.memory_space<vmem>> -> memref<80x16xf32, #tpu.memory_space<vmem>>
        %dma_wait3A_347 = arith.constant 0 : i32
        %dma_wait3A_348 = tpu.memref_slice %arg5[%add3A_343, %dma_wait3A_347] : memref<320000x16xf32, #tpu.memory_space<hbm>> -> memref<80x16xf32, #tpu.memory_space<hbm>>
        %dma_wait3A_349 = arith.constant 80 : i32
        %dma_wait3A_350 = arith.constant 0 : i32
        %dma_wait3A_351 = tpu.memref_slice %arg11[%dma_wait3A_349, %dma_wait3A_350] : memref<160x16xf32, #tpu.memory_space<vmem>> -> memref<80x16xf32, #tpu.memory_space<vmem>>
        %dma_wait3A_352 = arith.constant 0 : i32
        %dma_wait3A_353 = tpu.memref_slice %arg5[%add3A_343, %dma_wait3A_352] : memref<320000x16xf32, #tpu.memory_space<hbm>> -> memref<80x16xf32, #tpu.memory_space<hbm>>
        tpu.wait_dma2 semaphore(%arg19 : memref<!tpu.dma_semaphore, #tpu.memory_space<semaphore_mem>>) src(%dma_wait3A_353 : memref<80x16xf32, #tpu.memory_space<hbm>>) dst(%dma_wait3A_351 : memref<80x16xf32, #tpu.memory_space<vmem>>)
        %dma_start3A_354 = arith.constant 1 : i32
        %dma_start3A_355 = arith.constant 80 : i32
        %dma_start3A_356 = arith.constant 0 : i32
        %dma_start3A_357 = tpu.memref_slice %arg13[%dma_start3A_355, %dma_start3A_356] : memref<160x144xf32, #tpu.memory_space<vmem>> -> memref<80x144xf32, #tpu.memory_space<vmem>>
        %dma_start3A_358 = arith.constant 0 : i32
        %dma_start3A_359 = tpu.memref_slice %arg8[%dma_start3A_354, %dma_start3A_358] : memref<2x80xi32, #tpu.memory_space<vmem>> -> memref<1x80xi32, #tpu.memory_space<vmem>>
        %dma_start3A_360 = tpu.memref_squeeze %dma_start3A_359 : memref<1x80xi32, #tpu.memory_space<vmem>> -> memref<80xi32, #tpu.memory_space<vmem>>
        %dma_start3A_361 = arith.constant 0 : i32
        %dma_start3A_362 = arith.constant 0 : i32
        %dma_start3A_363 = tpu.memref_slice %arg2[%dma_start3A_361, %dma_start3A_362] : memref<10000x144xf32, #tpu.memory_space<hbm>> -> memref<10000x144xf32, #tpu.memory_space<hbm>>
        tpu.enqueue_indirect_dma source(%dma_start3A_363 : memref<10000x144xf32, #tpu.memory_space<hbm>>) target(%dma_start3A_357 : memref<80x144xf32, #tpu.memory_space<vmem>>) offsets(%dma_start3A_360 : memref<80xi32, #tpu.memory_space<vmem>>) semaphore(%arg21 : memref<!tpu.dma_semaphore, #tpu.memory_space<semaphore_mem>>)
        %dma_start3A_364 = arith.constant 0 : i32
        %dma_start3A_365 = arith.constant 80 : i32
        %dma_start3A_366 = arith.constant 0 : i32
        %dma_start3A_367 = tpu.memref_slice %arg12[%dma_start3A_365, %dma_start3A_366] : memref<160x16xf32, #tpu.memory_space<vmem>> -> memref<80x16xf32, #tpu.memory_space<vmem>>
        %dma_start3A_368 = arith.constant 0 : i32
        %dma_start3A_369 = tpu.memref_slice %arg8[%dma_start3A_364, %dma_start3A_368] : memref<2x80xi32, #tpu.memory_space<vmem>> -> memref<1x80xi32, #tpu.memory_space<vmem>>
        %dma_start3A_370 = tpu.memref_squeeze %dma_start3A_369 : memref<1x80xi32, #tpu.memory_space<vmem>> -> memref<80xi32, #tpu.memory_space<vmem>>
        %dma_start3A_371 = arith.constant 0 : i32
        %dma_start3A_372 = arith.constant 0 : i32
        %dma_start3A_373 = tpu.memref_slice %arg3[%dma_start3A_371, %dma_start3A_372] : memref<10000x16xf32, #tpu.memory_space<hbm>> -> memref<10000x16xf32, #tpu.memory_space<hbm>>
        tpu.enqueue_indirect_dma source(%dma_start3A_373 : memref<10000x16xf32, #tpu.memory_space<hbm>>) target(%dma_start3A_367 : memref<80x16xf32, #tpu.memory_space<vmem>>) offsets(%dma_start3A_370 : memref<80xi32, #tpu.memory_space<vmem>>) semaphore(%arg23 : memref<!tpu.dma_semaphore, #tpu.memory_space<semaphore_mem>>)
      } else {
      }
      %lt3A_146 = arith.constant 125 : i32
      %lt3A_147 = arith.cmpi slt, %add3A_120, %lt3A_146 : i32
      %eq3A_148 = arith.constant 1 : i32
      %eq3A_149 = arith.cmpi eq, %rem3A_124, %eq3A_148 : i32
      %eq3A_150 = arith.constant 0 : i32
      %eq3A_151 = arith.cmpi eq, %rem3A_122, %eq3A_150 : i32
      %and3A_152 = arith.andi %eq3A_149, %eq3A_151 : i1
      %and3A_153 = arith.andi %lt3A_147, %and3A_152 : i1
      %convert_element_type3A_154 = arith.extui %and3A_153 : i1 to i32
      %cond3A_155 = arith.constant 0 : i32
      %cond3A_156 = arith.cmpi ne, %convert_element_type3A_154, %cond3A_155 : i32
      scf.if %cond3A_156 {
        %mul3A_334 = arith.constant 80 : i32
        %mul3A_335 = arith.muli %add3A_120, %mul3A_334 : i32
        %add3A_336 = arith.addi %mul3A_20, %mul3A_335 : i32
        %dma_wait3A_337 = arith.constant 0 : i32
        %dma_wait3A_338 = tpu.memref_slice %arg4[%dma_wait3A_337, %add3A_336] : memref<2x320000xi32, #tpu.memory_space<hbm>> -> memref<2x80xi32, #tpu.memory_space<hbm>>
        %dma_wait3A_339 = arith.constant 0 : i32
        %dma_wait3A_340 = tpu.memref_slice %arg4[%dma_wait3A_339, %add3A_336] : memref<2x320000xi32, #tpu.memory_space<hbm>> -> memref<2x80xi32, #tpu.memory_space<hbm>>
        tpu.wait_dma2 semaphore(%arg16 : memref<!tpu.dma_semaphore, #tpu.memory_space<semaphore_mem>>) src(%dma_wait3A_340 : memref<2x80xi32, #tpu.memory_space<hbm>>) dst(%arg9 : memref<2x80xi32, #tpu.memory_space<vmem>>)
        %mul3A_341 = arith.constant 80 : i32
        %mul3A_342 = arith.muli %add3A_120, %mul3A_341 : i32
        %add3A_343 = arith.addi %mul3A_20, %mul3A_342 : i32
        %dma_wait3A_344 = arith.constant 0 : i32
        %dma_wait3A_345 = arith.constant 0 : i32
        %dma_wait3A_346 = tpu.memref_slice %arg11[%dma_wait3A_344, %dma_wait3A_345] : memref<160x16xf32, #tpu.memory_space<vmem>> -> memref<80x16xf32, #tpu.memory_space<vmem>>
        %dma_wait3A_347 = arith.constant 0 : i32
        %dma_wait3A_348 = tpu.memref_slice %arg5[%add3A_343, %dma_wait3A_347] : memref<320000x16xf32, #tpu.memory_space<hbm>> -> memref<80x16xf32, #tpu.memory_space<hbm>>
        %dma_wait3A_349 = arith.constant 0 : i32
        %dma_wait3A_350 = arith.constant 0 : i32
        %dma_wait3A_351 = tpu.memref_slice %arg11[%dma_wait3A_349, %dma_wait3A_350] : memref<160x16xf32, #tpu.memory_space<vmem>> -> memref<80x16xf32, #tpu.memory_space<vmem>>
        %dma_wait3A_352 = arith.constant 0 : i32
        %dma_wait3A_353 = tpu.memref_slice %arg5[%add3A_343, %dma_wait3A_352] : memref<320000x16xf32, #tpu.memory_space<hbm>> -> memref<80x16xf32, #tpu.memory_space<hbm>>
        tpu.wait_dma2 semaphore(%arg18 : memref<!tpu.dma_semaphore, #tpu.memory_space<semaphore_mem>>) src(%dma_wait3A_353 : memref<80x16xf32, #tpu.memory_space<hbm>>) dst(%dma_wait3A_351 : memref<80x16xf32, #tpu.memory_space<vmem>>)
        %dma_start3A_354 = arith.constant 1 : i32
        %dma_start3A_355 = arith.constant 0 : i32
        %dma_start3A_356 = arith.constant 0 : i32
        %dma_start3A_357 = tpu.memref_slice %arg13[%dma_start3A_355, %dma_start3A_356] : memref<160x144xf32, #tpu.memory_space<vmem>> -> memref<80x144xf32, #tpu.memory_space<vmem>>
        %dma_start3A_358 = arith.constant 0 : i32
        %dma_start3A_359 = tpu.memref_slice %arg9[%dma_start3A_354, %dma_start3A_358] : memref<2x80xi32, #tpu.memory_space<vmem>> -> memref<1x80xi32, #tpu.memory_space<vmem>>
        %dma_start3A_360 = tpu.memref_squeeze %dma_start3A_359 : memref<1x80xi32, #tpu.memory_space<vmem>> -> memref<80xi32, #tpu.memory_space<vmem>>
        %dma_start3A_361 = arith.constant 0 : i32
        %dma_start3A_362 = arith.constant 0 : i32
        %dma_start3A_363 = tpu.memref_slice %arg2[%dma_start3A_361, %dma_start3A_362] : memref<10000x144xf32, #tpu.memory_space<hbm>> -> memref<10000x144xf32, #tpu.memory_space<hbm>>
        tpu.enqueue_indirect_dma source(%dma_start3A_363 : memref<10000x144xf32, #tpu.memory_space<hbm>>) target(%dma_start3A_357 : memref<80x144xf32, #tpu.memory_space<vmem>>) offsets(%dma_start3A_360 : memref<80xi32, #tpu.memory_space<vmem>>) semaphore(%arg20 : memref<!tpu.dma_semaphore, #tpu.memory_space<semaphore_mem>>)
        %dma_start3A_364 = arith.constant 0 : i32
        %dma_start3A_365 = arith.constant 0 : i32
        %dma_start3A_366 = arith.constant 0 : i32
        %dma_start3A_367 = tpu.memref_slice %arg12[%dma_start3A_365, %dma_start3A_366] : memref<160x16xf32, #tpu.memory_space<vmem>> -> memref<80x16xf32, #tpu.memory_space<vmem>>
        %dma_start3A_368 = arith.constant 0 : i32
        %dma_start3A_369 = tpu.memref_slice %arg9[%dma_start3A_364, %dma_start3A_368] : memref<2x80xi32, #tpu.memory_space<vmem>> -> memref<1x80xi32, #tpu.memory_space<vmem>>
        %dma_start3A_370 = tpu.memref_squeeze %dma_start3A_369 : memref<1x80xi32, #tpu.memory_space<vmem>> -> memref<80xi32, #tpu.memory_space<vmem>>
        %dma_start3A_371 = arith.constant 0 : i32
        %dma_start3A_372 = arith.constant 0 : i32
        %dma_start3A_373 = tpu.memref_slice %arg3[%dma_start3A_371, %dma_start3A_372] : memref<10000x16xf32, #tpu.memory_space<hbm>> -> memref<10000x16xf32, #tpu.memory_space<hbm>>
        tpu.enqueue_indirect_dma source(%dma_start3A_373 : memref<10000x16xf32, #tpu.memory_space<hbm>>) target(%dma_start3A_367 : memref<80x16xf32, #tpu.memory_space<vmem>>) offsets(%dma_start3A_370 : memref<80xi32, #tpu.memory_space<vmem>>) semaphore(%arg22 : memref<!tpu.dma_semaphore, #tpu.memory_space<semaphore_mem>>)
      } else {
      }
      %lt3A_157 = arith.constant 125 : i32
      %lt3A_158 = arith.cmpi slt, %add3A_120, %lt3A_157 : i32
      %eq3A_159 = arith.constant 1 : i32
      %eq3A_160 = arith.cmpi eq, %rem3A_124, %eq3A_159 : i32
      %eq3A_161 = arith.constant 1 : i32
      %eq3A_162 = arith.cmpi eq, %rem3A_122, %eq3A_161 : i32
      %and3A_163 = arith.andi %eq3A_160, %eq3A_162 : i1
      %and3A_164 = arith.andi %lt3A_158, %and3A_163 : i1
      %convert_element_type3A_165 = arith.extui %and3A_164 : i1 to i32
      %cond3A_166 = arith.constant 0 : i32
      %cond3A_167 = arith.cmpi ne, %convert_element_type3A_165, %cond3A_166 : i32
      scf.if %cond3A_167 {
        %mul3A_334 = arith.constant 80 : i32
        %mul3A_335 = arith.muli %add3A_120, %mul3A_334 : i32
        %add3A_336 = arith.addi %mul3A_20, %mul3A_335 : i32
        %dma_wait3A_337 = arith.constant 0 : i32
        %dma_wait3A_338 = tpu.memref_slice %arg4[%dma_wait3A_337, %add3A_336] : memref<2x320000xi32, #tpu.memory_space<hbm>> -> memref<2x80xi32, #tpu.memory_space<hbm>>
        %dma_wait3A_339 = arith.constant 0 : i32
        %dma_wait3A_340 = tpu.memref_slice %arg4[%dma_wait3A_339, %add3A_336] : memref<2x320000xi32, #tpu.memory_space<hbm>> -> memref<2x80xi32, #tpu.memory_space<hbm>>
        tpu.wait_dma2 semaphore(%arg16 : memref<!tpu.dma_semaphore, #tpu.memory_space<semaphore_mem>>) src(%dma_wait3A_340 : memref<2x80xi32, #tpu.memory_space<hbm>>) dst(%arg9 : memref<2x80xi32, #tpu.memory_space<vmem>>)
        %mul3A_341 = arith.constant 80 : i32
        %mul3A_342 = arith.muli %add3A_120, %mul3A_341 : i32
        %add3A_343 = arith.addi %mul3A_20, %mul3A_342 : i32
        %dma_wait3A_344 = arith.constant 80 : i32
        %dma_wait3A_345 = arith.constant 0 : i32
        %dma_wait3A_346 = tpu.memref_slice %arg11[%dma_wait3A_344, %dma_wait3A_345] : memref<160x16xf32, #tpu.memory_space<vmem>> -> memref<80x16xf32, #tpu.memory_space<vmem>>
        %dma_wait3A_347 = arith.constant 0 : i32
        %dma_wait3A_348 = tpu.memref_slice %arg5[%add3A_343, %dma_wait3A_347] : memref<320000x16xf32, #tpu.memory_space<hbm>> -> memref<80x16xf32, #tpu.memory_space<hbm>>
        %dma_wait3A_349 = arith.constant 80 : i32
        %dma_wait3A_350 = arith.constant 0 : i32
        %dma_wait3A_351 = tpu.memref_slice %arg11[%dma_wait3A_349, %dma_wait3A_350] : memref<160x16xf32, #tpu.memory_space<vmem>> -> memref<80x16xf32, #tpu.memory_space<vmem>>
        %dma_wait3A_352 = arith.constant 0 : i32
        %dma_wait3A_353 = tpu.memref_slice %arg5[%add3A_343, %dma_wait3A_352] : memref<320000x16xf32, #tpu.memory_space<hbm>> -> memref<80x16xf32, #tpu.memory_space<hbm>>
        tpu.wait_dma2 semaphore(%arg19 : memref<!tpu.dma_semaphore, #tpu.memory_space<semaphore_mem>>) src(%dma_wait3A_353 : memref<80x16xf32, #tpu.memory_space<hbm>>) dst(%dma_wait3A_351 : memref<80x16xf32, #tpu.memory_space<vmem>>)
        %dma_start3A_354 = arith.constant 1 : i32
        %dma_start3A_355 = arith.constant 80 : i32
        %dma_start3A_356 = arith.constant 0 : i32
        %dma_start3A_357 = tpu.memref_slice %arg13[%dma_start3A_355, %dma_start3A_356] : memref<160x144xf32, #tpu.memory_space<vmem>> -> memref<80x144xf32, #tpu.memory_space<vmem>>
        %dma_start3A_358 = arith.constant 0 : i32
        %dma_start3A_359 = tpu.memref_slice %arg9[%dma_start3A_354, %dma_start3A_358] : memref<2x80xi32, #tpu.memory_space<vmem>> -> memref<1x80xi32, #tpu.memory_space<vmem>>
        %dma_start3A_360 = tpu.memref_squeeze %dma_start3A_359 : memref<1x80xi32, #tpu.memory_space<vmem>> -> memref<80xi32, #tpu.memory_space<vmem>>
        %dma_start3A_361 = arith.constant 0 : i32
        %dma_start3A_362 = arith.constant 0 : i32
        %dma_start3A_363 = tpu.memref_slice %arg2[%dma_start3A_361, %dma_start3A_362] : memref<10000x144xf32, #tpu.memory_space<hbm>> -> memref<10000x144xf32, #tpu.memory_space<hbm>>
        tpu.enqueue_indirect_dma source(%dma_start3A_363 : memref<10000x144xf32, #tpu.memory_space<hbm>>) target(%dma_start3A_357 : memref<80x144xf32, #tpu.memory_space<vmem>>) offsets(%dma_start3A_360 : memref<80xi32, #tpu.memory_space<vmem>>) semaphore(%arg21 : memref<!tpu.dma_semaphore, #tpu.memory_space<semaphore_mem>>)
        %dma_start3A_364 = arith.constant 0 : i32
        %dma_start3A_365 = arith.constant 80 : i32
        %dma_start3A_366 = arith.constant 0 : i32
        %dma_start3A_367 = tpu.memref_slice %arg12[%dma_start3A_365, %dma_start3A_366] : memref<160x16xf32, #tpu.memory_space<vmem>> -> memref<80x16xf32, #tpu.memory_space<vmem>>
        %dma_start3A_368 = arith.constant 0 : i32
        %dma_start3A_369 = tpu.memref_slice %arg9[%dma_start3A_364, %dma_start3A_368] : memref<2x80xi32, #tpu.memory_space<vmem>> -> memref<1x80xi32, #tpu.memory_space<vmem>>
        %dma_start3A_370 = tpu.memref_squeeze %dma_start3A_369 : memref<1x80xi32, #tpu.memory_space<vmem>> -> memref<80xi32, #tpu.memory_space<vmem>>
        %dma_start3A_371 = arith.constant 0 : i32
        %dma_start3A_372 = arith.constant 0 : i32
        %dma_start3A_373 = tpu.memref_slice %arg3[%dma_start3A_371, %dma_start3A_372] : memref<10000x16xf32, #tpu.memory_space<hbm>> -> memref<10000x16xf32, #tpu.memory_space<hbm>>
        tpu.enqueue_indirect_dma source(%dma_start3A_373 : memref<10000x16xf32, #tpu.memory_space<hbm>>) target(%dma_start3A_367 : memref<80x16xf32, #tpu.memory_space<vmem>>) offsets(%dma_start3A_370 : memref<80xi32, #tpu.memory_space<vmem>>) semaphore(%arg23 : memref<!tpu.dma_semaphore, #tpu.memory_space<semaphore_mem>>)
      } else {
      }
      %lt3A_168 = arith.constant 125 : i32
      %lt3A_169 = arith.cmpi slt, %add3A_120, %lt3A_168 : i32
      %eq3A_170 = arith.constant 2 : i32
      %eq3A_171 = arith.cmpi eq, %rem3A_124, %eq3A_170 : i32
      %eq3A_172 = arith.constant 0 : i32
      %eq3A_173 = arith.cmpi eq, %rem3A_122, %eq3A_172 : i32
      %and3A_174 = arith.andi %eq3A_171, %eq3A_173 : i1
      %and3A_175 = arith.andi %lt3A_169, %and3A_174 : i1
      %convert_element_type3A_176 = arith.extui %and3A_175 : i1 to i32
      %cond3A_177 = arith.constant 0 : i32
      %cond3A_178 = arith.cmpi ne, %convert_element_type3A_176, %cond3A_177 : i32
      scf.if %cond3A_178 {
        %mul3A_334 = arith.constant 80 : i32
        %mul3A_335 = arith.muli %add3A_120, %mul3A_334 : i32
        %add3A_336 = arith.addi %mul3A_20, %mul3A_335 : i32
        %dma_wait3A_337 = arith.constant 0 : i32
        %dma_wait3A_338 = tpu.memref_slice %arg4[%dma_wait3A_337, %add3A_336] : memref<2x320000xi32, #tpu.memory_space<hbm>> -> memref<2x80xi32, #tpu.memory_space<hbm>>
        %dma_wait3A_339 = arith.constant 0 : i32
        %dma_wait3A_340 = tpu.memref_slice %arg4[%dma_wait3A_339, %add3A_336] : memref<2x320000xi32, #tpu.memory_space<hbm>> -> memref<2x80xi32, #tpu.memory_space<hbm>>
        tpu.wait_dma2 semaphore(%arg17 : memref<!tpu.dma_semaphore, #tpu.memory_space<semaphore_mem>>) src(%dma_wait3A_340 : memref<2x80xi32, #tpu.memory_space<hbm>>) dst(%arg10 : memref<2x80xi32, #tpu.memory_space<vmem>>)
        %mul3A_341 = arith.constant 80 : i32
        %mul3A_342 = arith.muli %add3A_120, %mul3A_341 : i32
        %add3A_343 = arith.addi %mul3A_20, %mul3A_342 : i32
        %dma_wait3A_344 = arith.constant 0 : i32
        %dma_wait3A_345 = arith.constant 0 : i32
        %dma_wait3A_346 = tpu.memref_slice %arg11[%dma_wait3A_344, %dma_wait3A_345] : memref<160x16xf32, #tpu.memory_space<vmem>> -> memref<80x16xf32, #tpu.memory_space<vmem>>
        %dma_wait3A_347 = arith.constant 0 : i32
        %dma_wait3A_348 = tpu.memref_slice %arg5[%add3A_343, %dma_wait3A_347] : memref<320000x16xf32, #tpu.memory_space<hbm>> -> memref<80x16xf32, #tpu.memory_space<hbm>>
        %dma_wait3A_349 = arith.constant 0 : i32
        %dma_wait3A_350 = arith.constant 0 : i32
        %dma_wait3A_351 = tpu.memref_slice %arg11[%dma_wait3A_349, %dma_wait3A_350] : memref<160x16xf32, #tpu.memory_space<vmem>> -> memref<80x16xf32, #tpu.memory_space<vmem>>
        %dma_wait3A_352 = arith.constant 0 : i32
        %dma_wait3A_353 = tpu.memref_slice %arg5[%add3A_343, %dma_wait3A_352] : memref<320000x16xf32, #tpu.memory_space<hbm>> -> memref<80x16xf32, #tpu.memory_space<hbm>>
        tpu.wait_dma2 semaphore(%arg18 : memref<!tpu.dma_semaphore, #tpu.memory_space<semaphore_mem>>) src(%dma_wait3A_353 : memref<80x16xf32, #tpu.memory_space<hbm>>) dst(%dma_wait3A_351 : memref<80x16xf32, #tpu.memory_space<vmem>>)
        %dma_start3A_354 = arith.constant 1 : i32
        %dma_start3A_355 = arith.constant 0 : i32
        %dma_start3A_356 = arith.constant 0 : i32
        %dma_start3A_357 = tpu.memref_slice %arg13[%dma_start3A_355, %dma_start3A_356] : memref<160x144xf32, #tpu.memory_space<vmem>> -> memref<80x144xf32, #tpu.memory_space<vmem>>
        %dma_start3A_358 = arith.constant 0 : i32
        %dma_start3A_359 = tpu.memref_slice %arg10[%dma_start3A_354, %dma_start3A_358] : memref<2x80xi32, #tpu.memory_space<vmem>> -> memref<1x80xi32, #tpu.memory_space<vmem>>
        %dma_start3A_360 = tpu.memref_squeeze %dma_start3A_359 : memref<1x80xi32, #tpu.memory_space<vmem>> -> memref<80xi32, #tpu.memory_space<vmem>>
        %dma_start3A_361 = arith.constant 0 : i32
        %dma_start3A_362 = arith.constant 0 : i32
        %dma_start3A_363 = tpu.memref_slice %arg2[%dma_start3A_361, %dma_start3A_362] : memref<10000x144xf32, #tpu.memory_space<hbm>> -> memref<10000x144xf32, #tpu.memory_space<hbm>>
        tpu.enqueue_indirect_dma source(%dma_start3A_363 : memref<10000x144xf32, #tpu.memory_space<hbm>>) target(%dma_start3A_357 : memref<80x144xf32, #tpu.memory_space<vmem>>) offsets(%dma_start3A_360 : memref<80xi32, #tpu.memory_space<vmem>>) semaphore(%arg20 : memref<!tpu.dma_semaphore, #tpu.memory_space<semaphore_mem>>)
        %dma_start3A_364 = arith.constant 0 : i32
        %dma_start3A_365 = arith.constant 0 : i32
        %dma_start3A_366 = arith.constant 0 : i32
        %dma_start3A_367 = tpu.memref_slice %arg12[%dma_start3A_365, %dma_start3A_366] : memref<160x16xf32, #tpu.memory_space<vmem>> -> memref<80x16xf32, #tpu.memory_space<vmem>>
        %dma_start3A_368 = arith.constant 0 : i32
        %dma_start3A_369 = tpu.memref_slice %arg10[%dma_start3A_364, %dma_start3A_368] : memref<2x80xi32, #tpu.memory_space<vmem>> -> memref<1x80xi32, #tpu.memory_space<vmem>>
        %dma_start3A_370 = tpu.memref_squeeze %dma_start3A_369 : memref<1x80xi32, #tpu.memory_space<vmem>> -> memref<80xi32, #tpu.memory_space<vmem>>
        %dma_start3A_371 = arith.constant 0 : i32
        %dma_start3A_372 = arith.constant 0 : i32
        %dma_start3A_373 = tpu.memref_slice %arg3[%dma_start3A_371, %dma_start3A_372] : memref<10000x16xf32, #tpu.memory_space<hbm>> -> memref<10000x16xf32, #tpu.memory_space<hbm>>
        tpu.enqueue_indirect_dma source(%dma_start3A_373 : memref<10000x16xf32, #tpu.memory_space<hbm>>) target(%dma_start3A_367 : memref<80x16xf32, #tpu.memory_space<vmem>>) offsets(%dma_start3A_370 : memref<80xi32, #tpu.memory_space<vmem>>) semaphore(%arg22 : memref<!tpu.dma_semaphore, #tpu.memory_space<semaphore_mem>>)
      } else {
      }
      %lt3A_179 = arith.constant 125 : i32
      %lt3A_180 = arith.cmpi slt, %add3A_120, %lt3A_179 : i32
      %eq3A_181 = arith.constant 2 : i32
      %eq3A_182 = arith.cmpi eq, %rem3A_124, %eq3A_181 : i32
      %eq3A_183 = arith.constant 1 : i32
      %eq3A_184 = arith.cmpi eq, %rem3A_122, %eq3A_183 : i32
      %and3A_185 = arith.andi %eq3A_182, %eq3A_184 : i1
      %and3A_186 = arith.andi %lt3A_180, %and3A_185 : i1
      %convert_element_type3A_187 = arith.extui %and3A_186 : i1 to i32
      %cond3A_188 = arith.constant 0 : i32
      %cond3A_189 = arith.cmpi ne, %convert_element_type3A_187, %cond3A_188 : i32
      scf.if %cond3A_189 {
        %mul3A_334 = arith.constant 80 : i32
        %mul3A_335 = arith.muli %add3A_120, %mul3A_334 : i32
        %add3A_336 = arith.addi %mul3A_20, %mul3A_335 : i32
        %dma_wait3A_337 = arith.constant 0 : i32
        %dma_wait3A_338 = tpu.memref_slice %arg4[%dma_wait3A_337, %add3A_336] : memref<2x320000xi32, #tpu.memory_space<hbm>> -> memref<2x80xi32, #tpu.memory_space<hbm>>
        %dma_wait3A_339 = arith.constant 0 : i32
        %dma_wait3A_340 = tpu.memref_slice %arg4[%dma_wait3A_339, %add3A_336] : memref<2x320000xi32, #tpu.memory_space<hbm>> -> memref<2x80xi32, #tpu.memory_space<hbm>>
        tpu.wait_dma2 semaphore(%arg17 : memref<!tpu.dma_semaphore, #tpu.memory_space<semaphore_mem>>) src(%dma_wait3A_340 : memref<2x80xi32, #tpu.memory_space<hbm>>) dst(%arg10 : memref<2x80xi32, #tpu.memory_space<vmem>>)
        %mul3A_341 = arith.constant 80 : i32
        %mul3A_342 = arith.muli %add3A_120, %mul3A_341 : i32
        %add3A_343 = arith.addi %mul3A_20, %mul3A_342 : i32
        %dma_wait3A_344 = arith.constant 80 : i32
        %dma_wait3A_345 = arith.constant 0 : i32
        %dma_wait3A_346 = tpu.memref_slice %arg11[%dma_wait3A_344, %dma_wait3A_345] : memref<160x16xf32, #tpu.memory_space<vmem>> -> memref<80x16xf32, #tpu.memory_space<vmem>>
        %dma_wait3A_347 = arith.constant 0 : i32
        %dma_wait3A_348 = tpu.memref_slice %arg5[%add3A_343, %dma_wait3A_347] : memref<320000x16xf32, #tpu.memory_space<hbm>> -> memref<80x16xf32, #tpu.memory_space<hbm>>
        %dma_wait3A_349 = arith.constant 80 : i32
        %dma_wait3A_350 = arith.constant 0 : i32
        %dma_wait3A_351 = tpu.memref_slice %arg11[%dma_wait3A_349, %dma_wait3A_350] : memref<160x16xf32, #tpu.memory_space<vmem>> -> memref<80x16xf32, #tpu.memory_space<vmem>>
        %dma_wait3A_352 = arith.constant 0 : i32
        %dma_wait3A_353 = tpu.memref_slice %arg5[%add3A_343, %dma_wait3A_352] : memref<320000x16xf32, #tpu.memory_space<hbm>> -> memref<80x16xf32, #tpu.memory_space<hbm>>
        tpu.wait_dma2 semaphore(%arg19 : memref<!tpu.dma_semaphore, #tpu.memory_space<semaphore_mem>>) src(%dma_wait3A_353 : memref<80x16xf32, #tpu.memory_space<hbm>>) dst(%dma_wait3A_351 : memref<80x16xf32, #tpu.memory_space<vmem>>)
        %dma_start3A_354 = arith.constant 1 : i32
        %dma_start3A_355 = arith.constant 80 : i32
        %dma_start3A_356 = arith.constant 0 : i32
        %dma_start3A_357 = tpu.memref_slice %arg13[%dma_start3A_355, %dma_start3A_356] : memref<160x144xf32, #tpu.memory_space<vmem>> -> memref<80x144xf32, #tpu.memory_space<vmem>>
        %dma_start3A_358 = arith.constant 0 : i32
        %dma_start3A_359 = tpu.memref_slice %arg10[%dma_start3A_354, %dma_start3A_358] : memref<2x80xi32, #tpu.memory_space<vmem>> -> memref<1x80xi32, #tpu.memory_space<vmem>>
        %dma_start3A_360 = tpu.memref_squeeze %dma_start3A_359 : memref<1x80xi32, #tpu.memory_space<vmem>> -> memref<80xi32, #tpu.memory_space<vmem>>
        %dma_start3A_361 = arith.constant 0 : i32
        %dma_start3A_362 = arith.constant 0 : i32
        %dma_start3A_363 = tpu.memref_slice %arg2[%dma_start3A_361, %dma_start3A_362] : memref<10000x144xf32, #tpu.memory_space<hbm>> -> memref<10000x144xf32, #tpu.memory_space<hbm>>
        tpu.enqueue_indirect_dma source(%dma_start3A_363 : memref<10000x144xf32, #tpu.memory_space<hbm>>) target(%dma_start3A_357 : memref<80x144xf32, #tpu.memory_space<vmem>>) offsets(%dma_start3A_360 : memref<80xi32, #tpu.memory_space<vmem>>) semaphore(%arg21 : memref<!tpu.dma_semaphore, #tpu.memory_space<semaphore_mem>>)
        %dma_start3A_364 = arith.constant 0 : i32
        %dma_start3A_365 = arith.constant 80 : i32
        %dma_start3A_366 = arith.constant 0 : i32
        %dma_start3A_367 = tpu.memref_slice %arg12[%dma_start3A_365, %dma_start3A_366] : memref<160x16xf32, #tpu.memory_space<vmem>> -> memref<80x16xf32, #tpu.memory_space<vmem>>
        %dma_start3A_368 = arith.constant 0 : i32
        %dma_start3A_369 = tpu.memref_slice %arg10[%dma_start3A_364, %dma_start3A_368] : memref<2x80xi32, #tpu.memory_space<vmem>> -> memref<1x80xi32, #tpu.memory_space<vmem>>
        %dma_start3A_370 = tpu.memref_squeeze %dma_start3A_369 : memref<1x80xi32, #tpu.memory_space<vmem>> -> memref<80xi32, #tpu.memory_space<vmem>>
        %dma_start3A_371 = arith.constant 0 : i32
        %dma_start3A_372 = arith.constant 0 : i32
        %dma_start3A_373 = tpu.memref_slice %arg3[%dma_start3A_371, %dma_start3A_372] : memref<10000x16xf32, #tpu.memory_space<hbm>> -> memref<10000x16xf32, #tpu.memory_space<hbm>>
        tpu.enqueue_indirect_dma source(%dma_start3A_373 : memref<10000x16xf32, #tpu.memory_space<hbm>>) target(%dma_start3A_367 : memref<80x16xf32, #tpu.memory_space<vmem>>) offsets(%dma_start3A_370 : memref<80xi32, #tpu.memory_space<vmem>>) semaphore(%arg23 : memref<!tpu.dma_semaphore, #tpu.memory_space<semaphore_mem>>)
      } else {
      }
      %eq3A_190 = arith.constant 0 : i32
      %eq3A_191 = arith.cmpi eq, %rem3A_118, %eq3A_190 : i32
      %eq3A_192 = arith.constant 0 : i32
      %eq3A_193 = arith.cmpi eq, %rem3A_116, %eq3A_192 : i32
      %and3A_194 = arith.andi %eq3A_191, %eq3A_193 : i1
      %convert_element_type3A_195 = arith.extui %and3A_194 : i1 to i32
      %cond3A_196 = arith.constant 0 : i32
      %cond3A_197 = arith.cmpi ne, %convert_element_type3A_195, %cond3A_196 : i32
      scf.if %cond3A_197 {
        %dma_wait3A_334 = arith.constant 1 : i32
        %dma_wait3A_335 = arith.constant 0 : i32
        %dma_wait3A_336 = arith.constant 0 : i32
        %dma_wait3A_337 = tpu.memref_slice %arg13[%dma_wait3A_335, %dma_wait3A_336] : memref<160x144xf32, #tpu.memory_space<vmem>> -> memref<80x144xf32, #tpu.memory_space<vmem>>
        %dma_wait3A_338 = arith.constant 0 : i32
        %dma_wait3A_339 = tpu.memref_slice %arg8[%dma_wait3A_334, %dma_wait3A_338] : memref<2x80xi32, #tpu.memory_space<vmem>> -> memref<1x80xi32, #tpu.memory_space<vmem>>
        %dma_wait3A_340 = tpu.memref_squeeze %dma_wait3A_339 : memref<1x80xi32, #tpu.memory_space<vmem>> -> memref<80xi32, #tpu.memory_space<vmem>>
        %dma_wait3A_341 = arith.constant 0 : i32
        %dma_wait3A_342 = arith.constant 0 : i32
        %dma_wait3A_343 = tpu.memref_slice %arg2[%dma_wait3A_341, %dma_wait3A_342] : memref<10000x144xf32, #tpu.memory_space<hbm>> -> memref<10000x144xf32, #tpu.memory_space<hbm>>
        tpu.wait_indirect_dma semaphore(%arg20 : memref<!tpu.dma_semaphore, #tpu.memory_space<semaphore_mem>>) src(%dma_wait3A_343 : memref<10000x144xf32, #tpu.memory_space<hbm>>) dst(%dma_wait3A_337 : memref<80x144xf32, #tpu.memory_space<vmem>>)
        %dma_wait3A_344 = arith.constant 0 : i32
        %dma_wait3A_345 = arith.constant 0 : i32
        %dma_wait3A_346 = arith.constant 0 : i32
        %dma_wait3A_347 = tpu.memref_slice %arg12[%dma_wait3A_345, %dma_wait3A_346] : memref<160x16xf32, #tpu.memory_space<vmem>> -> memref<80x16xf32, #tpu.memory_space<vmem>>
        %dma_wait3A_348 = arith.constant 0 : i32
        %dma_wait3A_349 = tpu.memref_slice %arg8[%dma_wait3A_344, %dma_wait3A_348] : memref<2x80xi32, #tpu.memory_space<vmem>> -> memref<1x80xi32, #tpu.memory_space<vmem>>
        %dma_wait3A_350 = tpu.memref_squeeze %dma_wait3A_349 : memref<1x80xi32, #tpu.memory_space<vmem>> -> memref<80xi32, #tpu.memory_space<vmem>>
        %dma_wait3A_351 = arith.constant 0 : i32
        %dma_wait3A_352 = arith.constant 0 : i32
        %dma_wait3A_353 = tpu.memref_slice %arg3[%dma_wait3A_351, %dma_wait3A_352] : memref<10000x16xf32, #tpu.memory_space<hbm>> -> memref<10000x16xf32, #tpu.memory_space<hbm>>
        tpu.wait_indirect_dma semaphore(%arg22 : memref<!tpu.dma_semaphore, #tpu.memory_space<semaphore_mem>>) src(%dma_wait3A_353 : memref<10000x16xf32, #tpu.memory_space<hbm>>) dst(%dma_wait3A_347 : memref<80x16xf32, #tpu.memory_space<vmem>>)
      } else {
      }
      %eq3A_198 = arith.constant 0 : i32
      %eq3A_199 = arith.cmpi eq, %rem3A_118, %eq3A_198 : i32
      %eq3A_200 = arith.constant 1 : i32
      %eq3A_201 = arith.cmpi eq, %rem3A_116, %eq3A_200 : i32
      %and3A_202 = arith.andi %eq3A_199, %eq3A_201 : i1
      %convert_element_type3A_203 = arith.extui %and3A_202 : i1 to i32
      %cond3A_204 = arith.constant 0 : i32
      %cond3A_205 = arith.cmpi ne, %convert_element_type3A_203, %cond3A_204 : i32
      scf.if %cond3A_205 {
        %dma_wait3A_334 = arith.constant 1 : i32
        %dma_wait3A_335 = arith.constant 80 : i32
        %dma_wait3A_336 = arith.constant 0 : i32
        %dma_wait3A_337 = tpu.memref_slice %arg13[%dma_wait3A_335, %dma_wait3A_336] : memref<160x144xf32, #tpu.memory_space<vmem>> -> memref<80x144xf32, #tpu.memory_space<vmem>>
        %dma_wait3A_338 = arith.constant 0 : i32
        %dma_wait3A_339 = tpu.memref_slice %arg8[%dma_wait3A_334, %dma_wait3A_338] : memref<2x80xi32, #tpu.memory_space<vmem>> -> memref<1x80xi32, #tpu.memory_space<vmem>>
        %dma_wait3A_340 = tpu.memref_squeeze %dma_wait3A_339 : memref<1x80xi32, #tpu.memory_space<vmem>> -> memref<80xi32, #tpu.memory_space<vmem>>
        %dma_wait3A_341 = arith.constant 0 : i32
        %dma_wait3A_342 = arith.constant 0 : i32
        %dma_wait3A_343 = tpu.memref_slice %arg2[%dma_wait3A_341, %dma_wait3A_342] : memref<10000x144xf32, #tpu.memory_space<hbm>> -> memref<10000x144xf32, #tpu.memory_space<hbm>>
        tpu.wait_indirect_dma semaphore(%arg21 : memref<!tpu.dma_semaphore, #tpu.memory_space<semaphore_mem>>) src(%dma_wait3A_343 : memref<10000x144xf32, #tpu.memory_space<hbm>>) dst(%dma_wait3A_337 : memref<80x144xf32, #tpu.memory_space<vmem>>)
        %dma_wait3A_344 = arith.constant 0 : i32
        %dma_wait3A_345 = arith.constant 80 : i32
        %dma_wait3A_346 = arith.constant 0 : i32
        %dma_wait3A_347 = tpu.memref_slice %arg12[%dma_wait3A_345, %dma_wait3A_346] : memref<160x16xf32, #tpu.memory_space<vmem>> -> memref<80x16xf32, #tpu.memory_space<vmem>>
        %dma_wait3A_348 = arith.constant 0 : i32
        %dma_wait3A_349 = tpu.memref_slice %arg8[%dma_wait3A_344, %dma_wait3A_348] : memref<2x80xi32, #tpu.memory_space<vmem>> -> memref<1x80xi32, #tpu.memory_space<vmem>>
        %dma_wait3A_350 = tpu.memref_squeeze %dma_wait3A_349 : memref<1x80xi32, #tpu.memory_space<vmem>> -> memref<80xi32, #tpu.memory_space<vmem>>
        %dma_wait3A_351 = arith.constant 0 : i32
        %dma_wait3A_352 = arith.constant 0 : i32
        %dma_wait3A_353 = tpu.memref_slice %arg3[%dma_wait3A_351, %dma_wait3A_352] : memref<10000x16xf32, #tpu.memory_space<hbm>> -> memref<10000x16xf32, #tpu.memory_space<hbm>>
        tpu.wait_indirect_dma semaphore(%arg23 : memref<!tpu.dma_semaphore, #tpu.memory_space<semaphore_mem>>) src(%dma_wait3A_353 : memref<10000x16xf32, #tpu.memory_space<hbm>>) dst(%dma_wait3A_347 : memref<80x16xf32, #tpu.memory_space<vmem>>)
      } else {
      }
      %eq3A_206 = arith.constant 1 : i32
      %eq3A_207 = arith.cmpi eq, %rem3A_118, %eq3A_206 : i32
      %eq3A_208 = arith.constant 0 : i32
      %eq3A_209 = arith.cmpi eq, %rem3A_116, %eq3A_208 : i32
      %and3A_210 = arith.andi %eq3A_207, %eq3A_209 : i1
      %convert_element_type3A_211 = arith.extui %and3A_210 : i1 to i32
      %cond3A_212 = arith.constant 0 : i32
      %cond3A_213 = arith.cmpi ne, %convert_element_type3A_211, %cond3A_212 : i32
      scf.if %cond3A_213 {
        %dma_wait3A_334 = arith.constant 1 : i32
        %dma_wait3A_335 = arith.constant 0 : i32
        %dma_wait3A_336 = arith.constant 0 : i32
        %dma_wait3A_337 = tpu.memref_slice %arg13[%dma_wait3A_335, %dma_wait3A_336] : memref<160x144xf32, #tpu.memory_space<vmem>> -> memref<80x144xf32, #tpu.memory_space<vmem>>
        %dma_wait3A_338 = arith.constant 0 : i32
        %dma_wait3A_339 = tpu.memref_slice %arg9[%dma_wait3A_334, %dma_wait3A_338] : memref<2x80xi32, #tpu.memory_space<vmem>> -> memref<1x80xi32, #tpu.memory_space<vmem>>
        %dma_wait3A_340 = tpu.memref_squeeze %dma_wait3A_339 : memref<1x80xi32, #tpu.memory_space<vmem>> -> memref<80xi32, #tpu.memory_space<vmem>>
        %dma_wait3A_341 = arith.constant 0 : i32
        %dma_wait3A_342 = arith.constant 0 : i32
        %dma_wait3A_343 = tpu.memref_slice %arg2[%dma_wait3A_341, %dma_wait3A_342] : memref<10000x144xf32, #tpu.memory_space<hbm>> -> memref<10000x144xf32, #tpu.memory_space<hbm>>
        tpu.wait_indirect_dma semaphore(%arg20 : memref<!tpu.dma_semaphore, #tpu.memory_space<semaphore_mem>>) src(%dma_wait3A_343 : memref<10000x144xf32, #tpu.memory_space<hbm>>) dst(%dma_wait3A_337 : memref<80x144xf32, #tpu.memory_space<vmem>>)
        %dma_wait3A_344 = arith.constant 0 : i32
        %dma_wait3A_345 = arith.constant 0 : i32
        %dma_wait3A_346 = arith.constant 0 : i32
        %dma_wait3A_347 = tpu.memref_slice %arg12[%dma_wait3A_345, %dma_wait3A_346] : memref<160x16xf32, #tpu.memory_space<vmem>> -> memref<80x16xf32, #tpu.memory_space<vmem>>
        %dma_wait3A_348 = arith.constant 0 : i32
        %dma_wait3A_349 = tpu.memref_slice %arg9[%dma_wait3A_344, %dma_wait3A_348] : memref<2x80xi32, #tpu.memory_space<vmem>> -> memref<1x80xi32, #tpu.memory_space<vmem>>
        %dma_wait3A_350 = tpu.memref_squeeze %dma_wait3A_349 : memref<1x80xi32, #tpu.memory_space<vmem>> -> memref<80xi32, #tpu.memory_space<vmem>>
        %dma_wait3A_351 = arith.constant 0 : i32
        %dma_wait3A_352 = arith.constant 0 : i32
        %dma_wait3A_353 = tpu.memref_slice %arg3[%dma_wait3A_351, %dma_wait3A_352] : memref<10000x16xf32, #tpu.memory_space<hbm>> -> memref<10000x16xf32, #tpu.memory_space<hbm>>
        tpu.wait_indirect_dma semaphore(%arg22 : memref<!tpu.dma_semaphore, #tpu.memory_space<semaphore_mem>>) src(%dma_wait3A_353 : memref<10000x16xf32, #tpu.memory_space<hbm>>) dst(%dma_wait3A_347 : memref<80x16xf32, #tpu.memory_space<vmem>>)
      } else {
      }
      %eq3A_214 = arith.constant 1 : i32
      %eq3A_215 = arith.cmpi eq, %rem3A_118, %eq3A_214 : i32
      %eq3A_216 = arith.constant 1 : i32
      %eq3A_217 = arith.cmpi eq, %rem3A_116, %eq3A_216 : i32
      %and3A_218 = arith.andi %eq3A_215, %eq3A_217 : i1
      %convert_element_type3A_219 = arith.extui %and3A_218 : i1 to i32
      %cond3A_220 = arith.constant 0 : i32
      %cond3A_221 = arith.cmpi ne, %convert_element_type3A_219, %cond3A_220 : i32
      scf.if %cond3A_221 {
        %dma_wait3A_334 = arith.constant 1 : i32
        %dma_wait3A_335 = arith.constant 80 : i32
        %dma_wait3A_336 = arith.constant 0 : i32
        %dma_wait3A_337 = tpu.memref_slice %arg13[%dma_wait3A_335, %dma_wait3A_336] : memref<160x144xf32, #tpu.memory_space<vmem>> -> memref<80x144xf32, #tpu.memory_space<vmem>>
        %dma_wait3A_338 = arith.constant 0 : i32
        %dma_wait3A_339 = tpu.memref_slice %arg9[%dma_wait3A_334, %dma_wait3A_338] : memref<2x80xi32, #tpu.memory_space<vmem>> -> memref<1x80xi32, #tpu.memory_space<vmem>>
        %dma_wait3A_340 = tpu.memref_squeeze %dma_wait3A_339 : memref<1x80xi32, #tpu.memory_space<vmem>> -> memref<80xi32, #tpu.memory_space<vmem>>
        %dma_wait3A_341 = arith.constant 0 : i32
        %dma_wait3A_342 = arith.constant 0 : i32
        %dma_wait3A_343 = tpu.memref_slice %arg2[%dma_wait3A_341, %dma_wait3A_342] : memref<10000x144xf32, #tpu.memory_space<hbm>> -> memref<10000x144xf32, #tpu.memory_space<hbm>>
        tpu.wait_indirect_dma semaphore(%arg21 : memref<!tpu.dma_semaphore, #tpu.memory_space<semaphore_mem>>) src(%dma_wait3A_343 : memref<10000x144xf32, #tpu.memory_space<hbm>>) dst(%dma_wait3A_337 : memref<80x144xf32, #tpu.memory_space<vmem>>)
        %dma_wait3A_344 = arith.constant 0 : i32
        %dma_wait3A_345 = arith.constant 80 : i32
        %dma_wait3A_346 = arith.constant 0 : i32
        %dma_wait3A_347 = tpu.memref_slice %arg12[%dma_wait3A_345, %dma_wait3A_346] : memref<160x16xf32, #tpu.memory_space<vmem>> -> memref<80x16xf32, #tpu.memory_space<vmem>>
        %dma_wait3A_348 = arith.constant 0 : i32
        %dma_wait3A_349 = tpu.memref_slice %arg9[%dma_wait3A_344, %dma_wait3A_348] : memref<2x80xi32, #tpu.memory_space<vmem>> -> memref<1x80xi32, #tpu.memory_space<vmem>>
        %dma_wait3A_350 = tpu.memref_squeeze %dma_wait3A_349 : memref<1x80xi32, #tpu.memory_space<vmem>> -> memref<80xi32, #tpu.memory_space<vmem>>
        %dma_wait3A_351 = arith.constant 0 : i32
        %dma_wait3A_352 = arith.constant 0 : i32
        %dma_wait3A_353 = tpu.memref_slice %arg3[%dma_wait3A_351, %dma_wait3A_352] : memref<10000x16xf32, #tpu.memory_space<hbm>> -> memref<10000x16xf32, #tpu.memory_space<hbm>>
        tpu.wait_indirect_dma semaphore(%arg23 : memref<!tpu.dma_semaphore, #tpu.memory_space<semaphore_mem>>) src(%dma_wait3A_353 : memref<10000x16xf32, #tpu.memory_space<hbm>>) dst(%dma_wait3A_347 : memref<80x16xf32, #tpu.memory_space<vmem>>)
      } else {
      }
      %eq3A_222 = arith.constant 2 : i32
      %eq3A_223 = arith.cmpi eq, %rem3A_118, %eq3A_222 : i32
      %eq3A_224 = arith.constant 0 : i32
      %eq3A_225 = arith.cmpi eq, %rem3A_116, %eq3A_224 : i32
      %and3A_226 = arith.andi %eq3A_223, %eq3A_225 : i1
      %convert_element_type3A_227 = arith.extui %and3A_226 : i1 to i32
      %cond3A_228 = arith.constant 0 : i32
      %cond3A_229 = arith.cmpi ne, %convert_element_type3A_227, %cond3A_228 : i32
      scf.if %cond3A_229 {
        %dma_wait3A_334 = arith.constant 1 : i32
        %dma_wait3A_335 = arith.constant 0 : i32
        %dma_wait3A_336 = arith.constant 0 : i32
        %dma_wait3A_337 = tpu.memref_slice %arg13[%dma_wait3A_335, %dma_wait3A_336] : memref<160x144xf32, #tpu.memory_space<vmem>> -> memref<80x144xf32, #tpu.memory_space<vmem>>
        %dma_wait3A_338 = arith.constant 0 : i32
        %dma_wait3A_339 = tpu.memref_slice %arg10[%dma_wait3A_334, %dma_wait3A_338] : memref<2x80xi32, #tpu.memory_space<vmem>> -> memref<1x80xi32, #tpu.memory_space<vmem>>
        %dma_wait3A_340 = tpu.memref_squeeze %dma_wait3A_339 : memref<1x80xi32, #tpu.memory_space<vmem>> -> memref<80xi32, #tpu.memory_space<vmem>>
        %dma_wait3A_341 = arith.constant 0 : i32
        %dma_wait3A_342 = arith.constant 0 : i32
        %dma_wait3A_343 = tpu.memref_slice %arg2[%dma_wait3A_341, %dma_wait3A_342] : memref<10000x144xf32, #tpu.memory_space<hbm>> -> memref<10000x144xf32, #tpu.memory_space<hbm>>
        tpu.wait_indirect_dma semaphore(%arg20 : memref<!tpu.dma_semaphore, #tpu.memory_space<semaphore_mem>>) src(%dma_wait3A_343 : memref<10000x144xf32, #tpu.memory_space<hbm>>) dst(%dma_wait3A_337 : memref<80x144xf32, #tpu.memory_space<vmem>>)
        %dma_wait3A_344 = arith.constant 0 : i32
        %dma_wait3A_345 = arith.constant 0 : i32
        %dma_wait3A_346 = arith.constant 0 : i32
        %dma_wait3A_347 = tpu.memref_slice %arg12[%dma_wait3A_345, %dma_wait3A_346] : memref<160x16xf32, #tpu.memory_space<vmem>> -> memref<80x16xf32, #tpu.memory_space<vmem>>
        %dma_wait3A_348 = arith.constant 0 : i32
        %dma_wait3A_349 = tpu.memref_slice %arg10[%dma_wait3A_344, %dma_wait3A_348] : memref<2x80xi32, #tpu.memory_space<vmem>> -> memref<1x80xi32, #tpu.memory_space<vmem>>
        %dma_wait3A_350 = tpu.memref_squeeze %dma_wait3A_349 : memref<1x80xi32, #tpu.memory_space<vmem>> -> memref<80xi32, #tpu.memory_space<vmem>>
        %dma_wait3A_351 = arith.constant 0 : i32
        %dma_wait3A_352 = arith.constant 0 : i32
        %dma_wait3A_353 = tpu.memref_slice %arg3[%dma_wait3A_351, %dma_wait3A_352] : memref<10000x16xf32, #tpu.memory_space<hbm>> -> memref<10000x16xf32, #tpu.memory_space<hbm>>
        tpu.wait_indirect_dma semaphore(%arg22 : memref<!tpu.dma_semaphore, #tpu.memory_space<semaphore_mem>>) src(%dma_wait3A_353 : memref<10000x16xf32, #tpu.memory_space<hbm>>) dst(%dma_wait3A_347 : memref<80x16xf32, #tpu.memory_space<vmem>>)
      } else {
      }
      %eq3A_230 = arith.constant 2 : i32
      %eq3A_231 = arith.cmpi eq, %rem3A_118, %eq3A_230 : i32
      %eq3A_232 = arith.constant 1 : i32
      %eq3A_233 = arith.cmpi eq, %rem3A_116, %eq3A_232 : i32
      %and3A_234 = arith.andi %eq3A_231, %eq3A_233 : i1
      %convert_element_type3A_235 = arith.extui %and3A_234 : i1 to i32
      %cond3A_236 = arith.constant 0 : i32
      %cond3A_237 = arith.cmpi ne, %convert_element_type3A_235, %cond3A_236 : i32
      scf.if %cond3A_237 {
        %dma_wait3A_334 = arith.constant 1 : i32
        %dma_wait3A_335 = arith.constant 80 : i32
        %dma_wait3A_336 = arith.constant 0 : i32
        %dma_wait3A_337 = tpu.memref_slice %arg13[%dma_wait3A_335, %dma_wait3A_336] : memref<160x144xf32, #tpu.memory_space<vmem>> -> memref<80x144xf32, #tpu.memory_space<vmem>>
        %dma_wait3A_338 = arith.constant 0 : i32
        %dma_wait3A_339 = tpu.memref_slice %arg10[%dma_wait3A_334, %dma_wait3A_338] : memref<2x80xi32, #tpu.memory_space<vmem>> -> memref<1x80xi32, #tpu.memory_space<vmem>>
        %dma_wait3A_340 = tpu.memref_squeeze %dma_wait3A_339 : memref<1x80xi32, #tpu.memory_space<vmem>> -> memref<80xi32, #tpu.memory_space<vmem>>
        %dma_wait3A_341 = arith.constant 0 : i32
        %dma_wait3A_342 = arith.constant 0 : i32
        %dma_wait3A_343 = tpu.memref_slice %arg2[%dma_wait3A_341, %dma_wait3A_342] : memref<10000x144xf32, #tpu.memory_space<hbm>> -> memref<10000x144xf32, #tpu.memory_space<hbm>>
        tpu.wait_indirect_dma semaphore(%arg21 : memref<!tpu.dma_semaphore, #tpu.memory_space<semaphore_mem>>) src(%dma_wait3A_343 : memref<10000x144xf32, #tpu.memory_space<hbm>>) dst(%dma_wait3A_337 : memref<80x144xf32, #tpu.memory_space<vmem>>)
        %dma_wait3A_344 = arith.constant 0 : i32
        %dma_wait3A_345 = arith.constant 80 : i32
        %dma_wait3A_346 = arith.constant 0 : i32
        %dma_wait3A_347 = tpu.memref_slice %arg12[%dma_wait3A_345, %dma_wait3A_346] : memref<160x16xf32, #tpu.memory_space<vmem>> -> memref<80x16xf32, #tpu.memory_space<vmem>>
        %dma_wait3A_348 = arith.constant 0 : i32
        %dma_wait3A_349 = tpu.memref_slice %arg10[%dma_wait3A_344, %dma_wait3A_348] : memref<2x80xi32, #tpu.memory_space<vmem>> -> memref<1x80xi32, #tpu.memory_space<vmem>>
        %dma_wait3A_350 = tpu.memref_squeeze %dma_wait3A_349 : memref<1x80xi32, #tpu.memory_space<vmem>> -> memref<80xi32, #tpu.memory_space<vmem>>
        %dma_wait3A_351 = arith.constant 0 : i32
        %dma_wait3A_352 = arith.constant 0 : i32
        %dma_wait3A_353 = tpu.memref_slice %arg3[%dma_wait3A_351, %dma_wait3A_352] : memref<10000x16xf32, #tpu.memory_space<hbm>> -> memref<10000x16xf32, #tpu.memory_space<hbm>>
        tpu.wait_indirect_dma semaphore(%arg23 : memref<!tpu.dma_semaphore, #tpu.memory_space<semaphore_mem>>) src(%dma_wait3A_353 : memref<10000x16xf32, #tpu.memory_space<hbm>>) dst(%dma_wait3A_347 : memref<80x16xf32, #tpu.memory_space<vmem>>)
      } else {
      }
      %gt3A = arith.constant 0 : i32
      %gt3A_238 = arith.cmpi sgt, %scan3A_115, %gt3A : i32
      %eq3A_239 = arith.constant 0 : i32
      %eq3A_240 = arith.cmpi eq, %rem3A_128, %eq3A_239 : i32
      %and3A_241 = arith.andi %gt3A_238, %eq3A_240 : i1
      %convert_element_type3A_242 = arith.extui %and3A_241 : i1 to i32
      %cond3A_243 = arith.constant 0 : i32
      %cond3A_244 = arith.cmpi ne, %convert_element_type3A_242, %cond3A_243 : i32
      scf.if %cond3A_244 {
        %dma_wait3A_334 = arith.constant 0 : i32
        %dma_wait3A_335 = arith.constant 0 : i32
        %dma_wait3A_336 = tpu.memref_slice %arg8[%dma_wait3A_334, %dma_wait3A_335] : memref<2x80xi32, #tpu.memory_space<vmem>> -> memref<1x80xi32, #tpu.memory_space<vmem>>
        %dma_wait3A_337 = tpu.memref_squeeze %dma_wait3A_336 : memref<1x80xi32, #tpu.memory_space<vmem>> -> memref<80xi32, #tpu.memory_space<vmem>>
        %dma_wait3A_338 = arith.constant 0 : i32
        %dma_wait3A_339 = arith.constant 0 : i32
        %dma_wait3A_340 = tpu.memref_slice %arg7[%dma_wait3A_338, %dma_wait3A_339] : memref<10000x144xf32, #tpu.memory_space<vmem_shared>> -> memref<10000x144xf32, #tpu.memory_space<vmem_shared>>
        tpu.wait_indirect_dma semaphore(%arg24 : memref<!tpu.dma_semaphore, #tpu.memory_space<semaphore_mem>>) src(%arg14 : memref<80x144xf32, #tpu.memory_space<vmem>>) dst(%dma_wait3A_340 : memref<10000x144xf32, #tpu.memory_space<vmem_shared>>)
      } else {
      }
      %gt3A_245 = arith.constant 0 : i32
      %gt3A_246 = arith.cmpi sgt, %scan3A_115, %gt3A_245 : i32
      %eq3A_247 = arith.constant 1 : i32
      %eq3A_248 = arith.cmpi eq, %rem3A_128, %eq3A_247 : i32
      %and3A_249 = arith.andi %gt3A_246, %eq3A_248 : i1
      %convert_element_type3A_250 = arith.extui %and3A_249 : i1 to i32
      %cond3A_251 = arith.constant 0 : i32
      %cond3A_252 = arith.cmpi ne, %convert_element_type3A_250, %cond3A_251 : i32
      scf.if %cond3A_252 {
        %dma_wait3A_334 = arith.constant 0 : i32
        %dma_wait3A_335 = arith.constant 0 : i32
        %dma_wait3A_336 = tpu.memref_slice %arg9[%dma_wait3A_334, %dma_wait3A_335] : memref<2x80xi32, #tpu.memory_space<vmem>> -> memref<1x80xi32, #tpu.memory_space<vmem>>
        %dma_wait3A_337 = tpu.memref_squeeze %dma_wait3A_336 : memref<1x80xi32, #tpu.memory_space<vmem>> -> memref<80xi32, #tpu.memory_space<vmem>>
        %dma_wait3A_338 = arith.constant 0 : i32
        %dma_wait3A_339 = arith.constant 0 : i32
        %dma_wait3A_340 = tpu.memref_slice %arg7[%dma_wait3A_338, %dma_wait3A_339] : memref<10000x144xf32, #tpu.memory_space<vmem_shared>> -> memref<10000x144xf32, #tpu.memory_space<vmem_shared>>
        tpu.wait_indirect_dma semaphore(%arg24 : memref<!tpu.dma_semaphore, #tpu.memory_space<semaphore_mem>>) src(%arg14 : memref<80x144xf32, #tpu.memory_space<vmem>>) dst(%dma_wait3A_340 : memref<10000x144xf32, #tpu.memory_space<vmem_shared>>)
      } else {
      }
      %gt3A_253 = arith.constant 0 : i32
      %gt3A_254 = arith.cmpi sgt, %scan3A_115, %gt3A_253 : i32
      %eq3A_255 = arith.constant 2 : i32
      %eq3A_256 = arith.cmpi eq, %rem3A_128, %eq3A_255 : i32
      %and3A_257 = arith.andi %gt3A_254, %eq3A_256 : i1
      %convert_element_type3A_258 = arith.extui %and3A_257 : i1 to i32
      %cond3A_259 = arith.constant 0 : i32
      %cond3A_260 = arith.cmpi ne, %convert_element_type3A_258, %cond3A_259 : i32
      scf.if %cond3A_260 {
        %dma_wait3A_334 = arith.constant 0 : i32
        %dma_wait3A_335 = arith.constant 0 : i32
        %dma_wait3A_336 = tpu.memref_slice %arg10[%dma_wait3A_334, %dma_wait3A_335] : memref<2x80xi32, #tpu.memory_space<vmem>> -> memref<1x80xi32, #tpu.memory_space<vmem>>
        %dma_wait3A_337 = tpu.memref_squeeze %dma_wait3A_336 : memref<1x80xi32, #tpu.memory_space<vmem>> -> memref<80xi32, #tpu.memory_space<vmem>>
        %dma_wait3A_338 = arith.constant 0 : i32
        %dma_wait3A_339 = arith.constant 0 : i32
        %dma_wait3A_340 = tpu.memref_slice %arg7[%dma_wait3A_338, %dma_wait3A_339] : memref<10000x144xf32, #tpu.memory_space<vmem_shared>> -> memref<10000x144xf32, #tpu.memory_space<vmem_shared>>
        tpu.wait_indirect_dma semaphore(%arg24 : memref<!tpu.dma_semaphore, #tpu.memory_space<semaphore_mem>>) src(%arg14 : memref<80x144xf32, #tpu.memory_space<vmem>>) dst(%dma_wait3A_340 : memref<10000x144xf32, #tpu.memory_space<vmem_shared>>)
      } else {
      }
      %mul3A_261 = arith.constant 80 : i32
      %mul3A_262 = arith.muli %rem3A_116, %mul3A_261 : i32
      %scan3A_263 = arith.constant 0 : i32
      %scan3A_264 = arith.constant 0 : i32
      %scan3A_265 = arith.constant 5 : i32
      %scan3A_266 = arith.addi %scan3A_264, %scan3A_265 : i32
      %scan3A_267 = arith.constant 1 : i32
      scf.for %scan3A_334 = %scan3A_264 to %scan3A_266 step %scan3A_267  : i32 {
        %mul3A_335 = arith.constant 16 : i32
        %mul3A_336 = arith.muli %scan3A_334, %mul3A_335 : i32
        %add3A_337 = vector.broadcast %mul3A_336 : i32 to vector<16xi32>
        %add3A_338 = arith.addi %add3A_337, %iota3A : vector<16xi32>
        %add3A_339 = vector.broadcast %mul3A_262 : i32 to vector<16xi32>
        %add3A_340 = arith.addi %add3A_338, %add3A_339 : vector<16xi32>
        %broadcast_in_dim3A_341 = arith.constant 0 : i32
        %broadcast_in_dim3A_342 = vector.broadcast %broadcast_in_dim3A_341 : i32 to vector<16xi32>
        %gather3A = tpu.vector_load_idx %arg11[%add3A_340, %broadcast_in_dim3A_342] : memref<160x16xf32, #tpu.memory_space<vmem>>[vector<16xi32>, vector<16xi32>], vector<16xf32>,
        %broadcast_in_dim3A_343 = arith.constant 1 : i32
        %broadcast_in_dim3A_344 = vector.broadcast %broadcast_in_dim3A_343 : i32 to vector<16xi32>
        %gather3A_345 = tpu.vector_load_idx %arg11[%add3A_340, %broadcast_in_dim3A_344] : memref<160x16xf32, #tpu.memory_space<vmem>>[vector<16xi32>, vector<16xi32>], vector<16xf32>,
        %broadcast_in_dim3A_346 = arith.constant 2 : i32
        %broadcast_in_dim3A_347 = vector.broadcast %broadcast_in_dim3A_346 : i32 to vector<16xi32>
        %gather3A_348 = tpu.vector_load_idx %arg11[%add3A_340, %broadcast_in_dim3A_347] : memref<160x16xf32, #tpu.memory_space<vmem>>[vector<16xi32>, vector<16xi32>], vector<16xf32>,
        %broadcast_in_dim3A_349 = arith.constant 3 : i32
        %broadcast_in_dim3A_350 = vector.broadcast %broadcast_in_dim3A_349 : i32 to vector<16xi32>
        %gather3A_351 = tpu.vector_load_idx %arg11[%add3A_340, %broadcast_in_dim3A_350] : memref<160x16xf32, #tpu.memory_space<vmem>>[vector<16xi32>, vector<16xi32>], vector<16xf32>,
        %broadcast_in_dim3A_352 = arith.constant 4 : i32
        %broadcast_in_dim3A_353 = vector.broadcast %broadcast_in_dim3A_352 : i32 to vector<16xi32>
        %gather3A_354 = tpu.vector_load_idx %arg11[%add3A_340, %broadcast_in_dim3A_353] : memref<160x16xf32, #tpu.memory_space<vmem>>[vector<16xi32>, vector<16xi32>], vector<16xf32>,
        %broadcast_in_dim3A_355 = arith.constant 5 : i32
        %broadcast_in_dim3A_356 = vector.broadcast %broadcast_in_dim3A_355 : i32 to vector<16xi32>
        %gather3A_357 = tpu.vector_load_idx %arg11[%add3A_340, %broadcast_in_dim3A_356] : memref<160x16xf32, #tpu.memory_space<vmem>>[vector<16xi32>, vector<16xi32>], vector<16xf32>,
        %broadcast_in_dim3A_358 = arith.constant 6 : i32
        %broadcast_in_dim3A_359 = vector.broadcast %broadcast_in_dim3A_358 : i32 to vector<16xi32>
        %gather3A_360 = tpu.vector_load_idx %arg11[%add3A_340, %broadcast_in_dim3A_359] : memref<160x16xf32, #tpu.memory_space<vmem>>[vector<16xi32>, vector<16xi32>], vector<16xf32>,
        %broadcast_in_dim3A_361 = arith.constant 7 : i32
        %broadcast_in_dim3A_362 = vector.broadcast %broadcast_in_dim3A_361 : i32 to vector<16xi32>
        %gather3A_363 = tpu.vector_load_idx %arg11[%add3A_340, %broadcast_in_dim3A_362] : memref<160x16xf32, #tpu.memory_space<vmem>>[vector<16xi32>, vector<16xi32>], vector<16xf32>,
        %broadcast_in_dim3A_364 = arith.constant 8 : i32
        %broadcast_in_dim3A_365 = vector.broadcast %broadcast_in_dim3A_364 : i32 to vector<16xi32>
        %gather3A_366 = tpu.vector_load_idx %arg11[%add3A_340, %broadcast_in_dim3A_365] : memref<160x16xf32, #tpu.memory_space<vmem>>[vector<16xi32>, vector<16xi32>], vector<16xf32>,
        %broadcast_in_dim3A_367 = arith.constant 9 : i32
        %broadcast_in_dim3A_368 = vector.broadcast %broadcast_in_dim3A_367 : i32 to vector<16xi32>
        %gather3A_369 = tpu.vector_load_idx %arg11[%add3A_340, %broadcast_in_dim3A_368] : memref<160x16xf32, #tpu.memory_space<vmem>>[vector<16xi32>, vector<16xi32>], vector<16xf32>,
        %broadcast_in_dim3A_370 = arith.constant 10 : i32
        %broadcast_in_dim3A_371 = vector.broadcast %broadcast_in_dim3A_370 : i32 to vector<16xi32>
        %gather3A_372 = tpu.vector_load_idx %arg11[%add3A_340, %broadcast_in_dim3A_371] : memref<160x16xf32, #tpu.memory_space<vmem>>[vector<16xi32>, vector<16xi32>], vector<16xf32>,
        %broadcast_in_dim3A_373 = arith.constant 11 : i32
        %broadcast_in_dim3A_374 = vector.broadcast %broadcast_in_dim3A_373 : i32 to vector<16xi32>
        %gather3A_375 = tpu.vector_load_idx %arg11[%add3A_340, %broadcast_in_dim3A_374] : memref<160x16xf32, #tpu.memory_space<vmem>>[vector<16xi32>, vector<16xi32>], vector<16xf32>,
        %broadcast_in_dim3A_376 = arith.constant 12 : i32
        %broadcast_in_dim3A_377 = vector.broadcast %broadcast_in_dim3A_376 : i32 to vector<16xi32>
        %gather3A_378 = tpu.vector_load_idx %arg11[%add3A_340, %broadcast_in_dim3A_377] : memref<160x16xf32, #tpu.memory_space<vmem>>[vector<16xi32>, vector<16xi32>], vector<16xf32>,
        %broadcast_in_dim3A_379 = arith.constant 13 : i32
        %broadcast_in_dim3A_380 = vector.broadcast %broadcast_in_dim3A_379 : i32 to vector<16xi32>
        %gather3A_381 = tpu.vector_load_idx %arg11[%add3A_340, %broadcast_in_dim3A_380] : memref<160x16xf32, #tpu.memory_space<vmem>>[vector<16xi32>, vector<16xi32>], vector<16xf32>,
        %broadcast_in_dim3A_382 = arith.constant 14 : i32
        %broadcast_in_dim3A_383 = vector.broadcast %broadcast_in_dim3A_382 : i32 to vector<16xi32>
        %gather3A_384 = tpu.vector_load_idx %arg11[%add3A_340, %broadcast_in_dim3A_383] : memref<160x16xf32, #tpu.memory_space<vmem>>[vector<16xi32>, vector<16xi32>], vector<16xf32>,
        %broadcast_in_dim3A_385 = arith.constant 15 : i32
        %broadcast_in_dim3A_386 = vector.broadcast %broadcast_in_dim3A_385 : i32 to vector<16xi32>
        %gather3A_387 = tpu.vector_load_idx %arg11[%add3A_340, %broadcast_in_dim3A_386] : memref<160x16xf32, #tpu.memory_space<vmem>>[vector<16xi32>, vector<16xi32>], vector<16xf32>,
        %scan3A_388 = arith.constant 0 : i32
        %scan3A_389 = arith.constant 0 : i32
        %scan3A_390 = arith.constant 8 : i32
        %scan3A_391 = arith.addi %scan3A_389, %scan3A_390 : i32
        %scan3A_392 = arith.constant 1 : i32
        scf.for %scan3A_398 = %scan3A_389 to %scan3A_391 step %scan3A_392  : i32 {
          %mul3A_399 = arith.constant 16 : i32
          %mul3A_400 = arith.muli %scan3A_398, %mul3A_399 : i32
          %broadcast_in_dim3A_401 = arith.constant 0 : i32
          %broadcast_in_dim3A_402 = vector.broadcast %broadcast_in_dim3A_401 : i32 to vector<16xi32>
          %add3A_403 = vector.broadcast %scan3A_398 : i32 to vector<16xi32>
          %add3A_404 = arith.addi %broadcast_in_dim3A_402, %add3A_403 : vector<16xi32>
          %gather3A_405 = tpu.vector_load_idx %arg12[%add3A_340, %add3A_404] : memref<160x16xf32, #tpu.memory_space<vmem>>[vector<16xi32>, vector<16xi32>], vector<16xf32>,
          %broadcast_in_dim3A_406 = arith.constant 128 : i32
          %broadcast_in_dim3A_407 = vector.broadcast %broadcast_in_dim3A_406 : i32 to vector<16xi32>
          %add3A_408 = vector.broadcast %scan3A_398 : i32 to vector<16xi32>
          %add3A_409 = arith.addi %broadcast_in_dim3A_407, %add3A_408 : vector<16xi32>
          %gather3A_410 = tpu.vector_load_idx %arg13[%add3A_340, %add3A_409] : memref<160x144xf32, #tpu.memory_space<vmem>>[vector<16xi32>, vector<16xi32>], vector<16xf32>,
          %add3A_411 = arith.addf %gather3A_405, %gather3A_410 : vector<16xf32>
          %ge3A = arith.constant 0.000000e+00 : f32
          %ge3A_412 = vector.broadcast %ge3A : f32 to vector<16xf32>
          %ge3A_413 = arith.cmpf oge, %add3A_411, %ge3A_412 : vector<16xf32>
          %mul3A_414 = arith.constant 2.000000e-01 : f32
          %mul3A_415 = vector.broadcast %mul3A_414 : f32 to vector<16xf32>
          %mul3A_416 = arith.mulf %mul3A_415, %add3A_411 : vector<16xf32>
          %select_n3A = arith.select %ge3A_413, %add3A_411, %mul3A_416 : vector<16xi1>, vector<16xf32>
          %broadcast_in_dim3A_417 = arith.constant 0 : i32
          %broadcast_in_dim3A_418 = vector.broadcast %broadcast_in_dim3A_417 : i32 to vector<16xi32>
          %add3A_419 = vector.broadcast %mul3A_400 : i32 to vector<16xi32>
          %add3A_420 = arith.addi %broadcast_in_dim3A_418, %add3A_419 : vector<16xi32>
          %gather3A_421 = tpu.vector_load_idx %arg13[%add3A_340, %add3A_420] : memref<160x144xf32, #tpu.memory_space<vmem>>[vector<16xi32>, vector<16xi32>], vector<16xf32>,
          %broadcast_in_dim3A_422 = arith.constant 1 : i32
          %broadcast_in_dim3A_423 = vector.broadcast %broadcast_in_dim3A_422 : i32 to vector<16xi32>
          %add3A_424 = vector.broadcast %mul3A_400 : i32 to vector<16xi32>
          %add3A_425 = arith.addi %broadcast_in_dim3A_423, %add3A_424 : vector<16xi32>
          %gather3A_426 = tpu.vector_load_idx %arg13[%add3A_340, %add3A_425] : memref<160x144xf32, #tpu.memory_space<vmem>>[vector<16xi32>, vector<16xi32>], vector<16xf32>,
          %broadcast_in_dim3A_427 = arith.constant 2 : i32
          %broadcast_in_dim3A_428 = vector.broadcast %broadcast_in_dim3A_427 : i32 to vector<16xi32>
          %add3A_429 = vector.broadcast %mul3A_400 : i32 to vector<16xi32>
          %add3A_430 = arith.addi %broadcast_in_dim3A_428, %add3A_429 : vector<16xi32>
          %gather3A_431 = tpu.vector_load_idx %arg13[%add3A_340, %add3A_430] : memref<160x144xf32, #tpu.memory_space<vmem>>[vector<16xi32>, vector<16xi32>], vector<16xf32>,
          %broadcast_in_dim3A_432 = arith.constant 3 : i32
          %broadcast_in_dim3A_433 = vector.broadcast %broadcast_in_dim3A_432 : i32 to vector<16xi32>
          %add3A_434 = vector.broadcast %mul3A_400 : i32 to vector<16xi32>
          %add3A_435 = arith.addi %broadcast_in_dim3A_433, %add3A_434 : vector<16xi32>
          %gather3A_436 = tpu.vector_load_idx %arg13[%add3A_340, %add3A_435] : memref<160x144xf32, #tpu.memory_space<vmem>>[vector<16xi32>, vector<16xi32>], vector<16xf32>,
          %broadcast_in_dim3A_437 = arith.constant 4 : i32
          %broadcast_in_dim3A_438 = vector.broadcast %broadcast_in_dim3A_437 : i32 to vector<16xi32>
          %add3A_439 = vector.broadcast %mul3A_400 : i32 to vector<16xi32>
          %add3A_440 = arith.addi %broadcast_in_dim3A_438, %add3A_439 : vector<16xi32>
          %gather3A_441 = tpu.vector_load_idx %arg13[%add3A_340, %add3A_440] : memref<160x144xf32, #tpu.memory_space<vmem>>[vector<16xi32>, vector<16xi32>], vector<16xf32>,
          %broadcast_in_dim3A_442 = arith.constant 5 : i32
          %broadcast_in_dim3A_443 = vector.broadcast %broadcast_in_dim3A_442 : i32 to vector<16xi32>
          %add3A_444 = vector.broadcast %mul3A_400 : i32 to vector<16xi32>
          %add3A_445 = arith.addi %broadcast_in_dim3A_443, %add3A_444 : vector<16xi32>
          %gather3A_446 = tpu.vector_load_idx %arg13[%add3A_340, %add3A_445] : memref<160x144xf32, #tpu.memory_space<vmem>>[vector<16xi32>, vector<16xi32>], vector<16xf32>,
          %broadcast_in_dim3A_447 = arith.constant 6 : i32
          %broadcast_in_dim3A_448 = vector.broadcast %broadcast_in_dim3A_447 : i32 to vector<16xi32>
          %add3A_449 = vector.broadcast %mul3A_400 : i32 to vector<16xi32>
          %add3A_450 = arith.addi %broadcast_in_dim3A_448, %add3A_449 : vector<16xi32>
          %gather3A_451 = tpu.vector_load_idx %arg13[%add3A_340, %add3A_450] : memref<160x144xf32, #tpu.memory_space<vmem>>[vector<16xi32>, vector<16xi32>], vector<16xf32>,
          %broadcast_in_dim3A_452 = arith.constant 7 : i32
          %broadcast_in_dim3A_453 = vector.broadcast %broadcast_in_dim3A_452 : i32 to vector<16xi32>
          %add3A_454 = vector.broadcast %mul3A_400 : i32 to vector<16xi32>
          %add3A_455 = arith.addi %broadcast_in_dim3A_453, %add3A_454 : vector<16xi32>
          %gather3A_456 = tpu.vector_load_idx %arg13[%add3A_340, %add3A_455] : memref<160x144xf32, #tpu.memory_space<vmem>>[vector<16xi32>, vector<16xi32>], vector<16xf32>,
          %broadcast_in_dim3A_457 = arith.constant 8 : i32
          %broadcast_in_dim3A_458 = vector.broadcast %broadcast_in_dim3A_457 : i32 to vector<16xi32>
          %add3A_459 = vector.broadcast %mul3A_400 : i32 to vector<16xi32>
          %add3A_460 = arith.addi %broadcast_in_dim3A_458, %add3A_459 : vector<16xi32>
          %gather3A_461 = tpu.vector_load_idx %arg13[%add3A_340, %add3A_460] : memref<160x144xf32, #tpu.memory_space<vmem>>[vector<16xi32>, vector<16xi32>], vector<16xf32>,
          %broadcast_in_dim3A_462 = arith.constant 9 : i32
          %broadcast_in_dim3A_463 = vector.broadcast %broadcast_in_dim3A_462 : i32 to vector<16xi32>
          %add3A_464 = vector.broadcast %mul3A_400 : i32 to vector<16xi32>
          %add3A_465 = arith.addi %broadcast_in_dim3A_463, %add3A_464 : vector<16xi32>
          %gather3A_466 = tpu.vector_load_idx %arg13[%add3A_340, %add3A_465] : memref<160x144xf32, #tpu.memory_space<vmem>>[vector<16xi32>, vector<16xi32>], vector<16xf32>,
          %broadcast_in_dim3A_467 = arith.constant 10 : i32
          %broadcast_in_dim3A_468 = vector.broadcast %broadcast_in_dim3A_467 : i32 to vector<16xi32>
          %add3A_469 = vector.broadcast %mul3A_400 : i32 to vector<16xi32>
          %add3A_470 = arith.addi %broadcast_in_dim3A_468, %add3A_469 : vector<16xi32>
          %gather3A_471 = tpu.vector_load_idx %arg13[%add3A_340, %add3A_470] : memref<160x144xf32, #tpu.memory_space<vmem>>[vector<16xi32>, vector<16xi32>], vector<16xf32>,
          %broadcast_in_dim3A_472 = arith.constant 11 : i32
          %broadcast_in_dim3A_473 = vector.broadcast %broadcast_in_dim3A_472 : i32 to vector<16xi32>
          %add3A_474 = vector.broadcast %mul3A_400 : i32 to vector<16xi32>
          %add3A_475 = arith.addi %broadcast_in_dim3A_473, %add3A_474 : vector<16xi32>
          %gather3A_476 = tpu.vector_load_idx %arg13[%add3A_340, %add3A_475] : memref<160x144xf32, #tpu.memory_space<vmem>>[vector<16xi32>, vector<16xi32>], vector<16xf32>,
          %broadcast_in_dim3A_477 = arith.constant 12 : i32
          %broadcast_in_dim3A_478 = vector.broadcast %broadcast_in_dim3A_477 : i32 to vector<16xi32>
          %add3A_479 = vector.broadcast %mul3A_400 : i32 to vector<16xi32>
          %add3A_480 = arith.addi %broadcast_in_dim3A_478, %add3A_479 : vector<16xi32>
          %gather3A_481 = tpu.vector_load_idx %arg13[%add3A_340, %add3A_480] : memref<160x144xf32, #tpu.memory_space<vmem>>[vector<16xi32>, vector<16xi32>], vector<16xf32>,
          %broadcast_in_dim3A_482 = arith.constant 13 : i32
          %broadcast_in_dim3A_483 = vector.broadcast %broadcast_in_dim3A_482 : i32 to vector<16xi32>
          %add3A_484 = vector.broadcast %mul3A_400 : i32 to vector<16xi32>
          %add3A_485 = arith.addi %broadcast_in_dim3A_483, %add3A_484 : vector<16xi32>
          %gather3A_486 = tpu.vector_load_idx %arg13[%add3A_340, %add3A_485] : memref<160x144xf32, #tpu.memory_space<vmem>>[vector<16xi32>, vector<16xi32>], vector<16xf32>,
          %broadcast_in_dim3A_487 = arith.constant 14 : i32
          %broadcast_in_dim3A_488 = vector.broadcast %broadcast_in_dim3A_487 : i32 to vector<16xi32>
          %add3A_489 = vector.broadcast %mul3A_400 : i32 to vector<16xi32>
          %add3A_490 = arith.addi %broadcast_in_dim3A_488, %add3A_489 : vector<16xi32>
          %gather3A_491 = tpu.vector_load_idx %arg13[%add3A_340, %add3A_490] : memref<160x144xf32, #tpu.memory_space<vmem>>[vector<16xi32>, vector<16xi32>], vector<16xf32>,
          %broadcast_in_dim3A_492 = arith.constant 15 : i32
          %broadcast_in_dim3A_493 = vector.broadcast %broadcast_in_dim3A_492 : i32 to vector<16xi32>
          %add3A_494 = vector.broadcast %mul3A_400 : i32 to vector<16xi32>
          %add3A_495 = arith.addi %broadcast_in_dim3A_493, %add3A_494 : vector<16xi32>
          %gather3A_496 = tpu.vector_load_idx %arg13[%add3A_340, %add3A_495] : memref<160x144xf32, #tpu.memory_space<vmem>>[vector<16xi32>, vector<16xi32>], vector<16xf32>,
          %mul3A_497 = arith.mulf %gather3A, %gather3A_421 : vector<16xf32>
          %mul3A_498 = arith.mulf %gather3A_345, %gather3A_426 : vector<16xf32>
          %mul3A_499 = arith.mulf %gather3A_348, %gather3A_431 : vector<16xf32>
          %mul3A_500 = arith.mulf %gather3A_351, %gather3A_436 : vector<16xf32>
          %mul3A_501 = arith.mulf %gather3A_354, %gather3A_441 : vector<16xf32>
          %mul3A_502 = arith.mulf %gather3A_357, %gather3A_446 : vector<16xf32>
          %mul3A_503 = arith.mulf %gather3A_360, %gather3A_451 : vector<16xf32>
          %mul3A_504 = arith.mulf %gather3A_363, %gather3A_456 : vector<16xf32>
          %mul3A_505 = arith.mulf %gather3A_366, %gather3A_461 : vector<16xf32>
          %mul3A_506 = arith.mulf %gather3A_369, %gather3A_466 : vector<16xf32>
          %mul3A_507 = arith.mulf %gather3A_372, %gather3A_471 : vector<16xf32>
          %mul3A_508 = arith.mulf %gather3A_375, %gather3A_476 : vector<16xf32>
          %mul3A_509 = arith.mulf %gather3A_378, %gather3A_481 : vector<16xf32>
          %mul3A_510 = arith.mulf %gather3A_381, %gather3A_486 : vector<16xf32>
          %mul3A_511 = arith.mulf %gather3A_384, %gather3A_491 : vector<16xf32>
          %mul3A_512 = arith.mulf %gather3A_387, %gather3A_496 : vector<16xf32>
          %add3A_513 = arith.addf %mul3A_497, %mul3A_498 : vector<16xf32>
          %add3A_514 = arith.addf %mul3A_499, %mul3A_500 : vector<16xf32>
          %add3A_515 = arith.addf %mul3A_501, %mul3A_502 : vector<16xf32>
          %add3A_516 = arith.addf %mul3A_503, %mul3A_504 : vector<16xf32>
          %add3A_517 = arith.addf %mul3A_505, %mul3A_506 : vector<16xf32>
          %add3A_518 = arith.addf %mul3A_507, %mul3A_508 : vector<16xf32>
          %add3A_519 = arith.addf %mul3A_509, %mul3A_510 : vector<16xf32>
          %add3A_520 = arith.addf %mul3A_511, %mul3A_512 : vector<16xf32>
          %add3A_521 = arith.addf %add3A_513, %add3A_514 : vector<16xf32>
          %add3A_522 = arith.addf %add3A_515, %add3A_516 : vector<16xf32>
          %add3A_523 = arith.addf %add3A_517, %add3A_518 : vector<16xf32>
          %add3A_524 = arith.addf %add3A_519, %add3A_520 : vector<16xf32>
          %add3A_525 = arith.addf %add3A_521, %add3A_522 : vector<16xf32>
          %add3A_526 = arith.addf %add3A_523, %add3A_524 : vector<16xf32>
          %add3A_527 = arith.addf %add3A_525, %add3A_526 : vector<16xf32>
          %add3A_528 = arith.addf %select_n3A, %add3A_527 : vector<16xf32>
          %exp3A = math.exp %add3A_528 : vector<16xf32>
          %broadcast_in_dim3A_529 = arith.constant 0 : i32
          %broadcast_in_dim3A_530 = vector.broadcast %broadcast_in_dim3A_529 : i32 to vector<16xi32>
          %add3A_531 = vector.broadcast %mul3A_400 : i32 to vector<16xi32>
          %add3A_532 = arith.addi %broadcast_in_dim3A_530, %add3A_531 : vector<16xi32>
          %mul3A_533 = arith.mulf %exp3A, %gather3A_421 : vector<16xf32>
          tpu.vector_store_idx %arg14[%add3A_338, %add3A_532], %mul3A_533 : memref<80x144xf32, #tpu.memory_space<vmem>>[vector<16xi32>, vector<16xi32>], vector<16xf32>,
          %broadcast_in_dim3A_534 = arith.constant 1 : i32
          %broadcast_in_dim3A_535 = vector.broadcast %broadcast_in_dim3A_534 : i32 to vector<16xi32>
          %add3A_536 = vector.broadcast %mul3A_400 : i32 to vector<16xi32>
          %add3A_537 = arith.addi %broadcast_in_dim3A_535, %add3A_536 : vector<16xi32>
          %mul3A_538 = arith.mulf %exp3A, %gather3A_426 : vector<16xf32>
          tpu.vector_store_idx %arg14[%add3A_338, %add3A_537], %mul3A_538 : memref<80x144xf32, #tpu.memory_space<vmem>>[vector<16xi32>, vector<16xi32>], vector<16xf32>,
          %broadcast_in_dim3A_539 = arith.constant 2 : i32
          %broadcast_in_dim3A_540 = vector.broadcast %broadcast_in_dim3A_539 : i32 to vector<16xi32>
          %add3A_541 = vector.broadcast %mul3A_400 : i32 to vector<16xi32>
          %add3A_542 = arith.addi %broadcast_in_dim3A_540, %add3A_541 : vector<16xi32>
          %mul3A_543 = arith.mulf %exp3A, %gather3A_431 : vector<16xf32>
          tpu.vector_store_idx %arg14[%add3A_338, %add3A_542], %mul3A_543 : memref<80x144xf32, #tpu.memory_space<vmem>>[vector<16xi32>, vector<16xi32>], vector<16xf32>,
          %broadcast_in_dim3A_544 = arith.constant 3 : i32
          %broadcast_in_dim3A_545 = vector.broadcast %broadcast_in_dim3A_544 : i32 to vector<16xi32>
          %add3A_546 = vector.broadcast %mul3A_400 : i32 to vector<16xi32>
          %add3A_547 = arith.addi %broadcast_in_dim3A_545, %add3A_546 : vector<16xi32>
          %mul3A_548 = arith.mulf %exp3A, %gather3A_436 : vector<16xf32>
          tpu.vector_store_idx %arg14[%add3A_338, %add3A_547], %mul3A_548 : memref<80x144xf32, #tpu.memory_space<vmem>>[vector<16xi32>, vector<16xi32>], vector<16xf32>,
          %broadcast_in_dim3A_549 = arith.constant 4 : i32
          %broadcast_in_dim3A_550 = vector.broadcast %broadcast_in_dim3A_549 : i32 to vector<16xi32>
          %add3A_551 = vector.broadcast %mul3A_400 : i32 to vector<16xi32>
          %add3A_552 = arith.addi %broadcast_in_dim3A_550, %add3A_551 : vector<16xi32>
          %mul3A_553 = arith.mulf %exp3A, %gather3A_441 : vector<16xf32>
          tpu.vector_store_idx %arg14[%add3A_338, %add3A_552], %mul3A_553 : memref<80x144xf32, #tpu.memory_space<vmem>>[vector<16xi32>, vector<16xi32>], vector<16xf32>,
          %broadcast_in_dim3A_554 = arith.constant 5 : i32
          %broadcast_in_dim3A_555 = vector.broadcast %broadcast_in_dim3A_554 : i32 to vector<16xi32>
          %add3A_556 = vector.broadcast %mul3A_400 : i32 to vector<16xi32>
          %add3A_557 = arith.addi %broadcast_in_dim3A_555, %add3A_556 : vector<16xi32>
          %mul3A_558 = arith.mulf %exp3A, %gather3A_446 : vector<16xf32>
          tpu.vector_store_idx %arg14[%add3A_338, %add3A_557], %mul3A_558 : memref<80x144xf32, #tpu.memory_space<vmem>>[vector<16xi32>, vector<16xi32>], vector<16xf32>,
          %broadcast_in_dim3A_559 = arith.constant 6 : i32
          %broadcast_in_dim3A_560 = vector.broadcast %broadcast_in_dim3A_559 : i32 to vector<16xi32>
          %add3A_561 = vector.broadcast %mul3A_400 : i32 to vector<16xi32>
          %add3A_562 = arith.addi %broadcast_in_dim3A_560, %add3A_561 : vector<16xi32>
          %mul3A_563 = arith.mulf %exp3A, %gather3A_451 : vector<16xf32>
          tpu.vector_store_idx %arg14[%add3A_338, %add3A_562], %mul3A_563 : memref<80x144xf32, #tpu.memory_space<vmem>>[vector<16xi32>, vector<16xi32>], vector<16xf32>,
          %broadcast_in_dim3A_564 = arith.constant 7 : i32
          %broadcast_in_dim3A_565 = vector.broadcast %broadcast_in_dim3A_564 : i32 to vector<16xi32>
          %add3A_566 = vector.broadcast %mul3A_400 : i32 to vector<16xi32>
          %add3A_567 = arith.addi %broadcast_in_dim3A_565, %add3A_566 : vector<16xi32>
          %mul3A_568 = arith.mulf %exp3A, %gather3A_456 : vector<16xf32>
          tpu.vector_store_idx %arg14[%add3A_338, %add3A_567], %mul3A_568 : memref<80x144xf32, #tpu.memory_space<vmem>>[vector<16xi32>, vector<16xi32>], vector<16xf32>,
          %broadcast_in_dim3A_569 = arith.constant 8 : i32
          %broadcast_in_dim3A_570 = vector.broadcast %broadcast_in_dim3A_569 : i32 to vector<16xi32>
          %add3A_571 = vector.broadcast %mul3A_400 : i32 to vector<16xi32>
          %add3A_572 = arith.addi %broadcast_in_dim3A_570, %add3A_571 : vector<16xi32>
          %mul3A_573 = arith.mulf %exp3A, %gather3A_461 : vector<16xf32>
          tpu.vector_store_idx %arg14[%add3A_338, %add3A_572], %mul3A_573 : memref<80x144xf32, #tpu.memory_space<vmem>>[vector<16xi32>, vector<16xi32>], vector<16xf32>,
          %broadcast_in_dim3A_574 = arith.constant 9 : i32
          %broadcast_in_dim3A_575 = vector.broadcast %broadcast_in_dim3A_574 : i32 to vector<16xi32>
          %add3A_576 = vector.broadcast %mul3A_400 : i32 to vector<16xi32>
          %add3A_577 = arith.addi %broadcast_in_dim3A_575, %add3A_576 : vector<16xi32>
          %mul3A_578 = arith.mulf %exp3A, %gather3A_466 : vector<16xf32>
          tpu.vector_store_idx %arg14[%add3A_338, %add3A_577], %mul3A_578 : memref<80x144xf32, #tpu.memory_space<vmem>>[vector<16xi32>, vector<16xi32>], vector<16xf32>,
          %broadcast_in_dim3A_579 = arith.constant 10 : i32
          %broadcast_in_dim3A_580 = vector.broadcast %broadcast_in_dim3A_579 : i32 to vector<16xi32>
          %add3A_581 = vector.broadcast %mul3A_400 : i32 to vector<16xi32>
          %add3A_582 = arith.addi %broadcast_in_dim3A_580, %add3A_581 : vector<16xi32>
          %mul3A_583 = arith.mulf %exp3A, %gather3A_471 : vector<16xf32>
          tpu.vector_store_idx %arg14[%add3A_338, %add3A_582], %mul3A_583 : memref<80x144xf32, #tpu.memory_space<vmem>>[vector<16xi32>, vector<16xi32>], vector<16xf32>,
          %broadcast_in_dim3A_584 = arith.constant 11 : i32
          %broadcast_in_dim3A_585 = vector.broadcast %broadcast_in_dim3A_584 : i32 to vector<16xi32>
          %add3A_586 = vector.broadcast %mul3A_400 : i32 to vector<16xi32>
          %add3A_587 = arith.addi %broadcast_in_dim3A_585, %add3A_586 : vector<16xi32>
          %mul3A_588 = arith.mulf %exp3A, %gather3A_476 : vector<16xf32>
          tpu.vector_store_idx %arg14[%add3A_338, %add3A_587], %mul3A_588 : memref<80x144xf32, #tpu.memory_space<vmem>>[vector<16xi32>, vector<16xi32>], vector<16xf32>,
          %broadcast_in_dim3A_589 = arith.constant 12 : i32
          %broadcast_in_dim3A_590 = vector.broadcast %broadcast_in_dim3A_589 : i32 to vector<16xi32>
          %add3A_591 = vector.broadcast %mul3A_400 : i32 to vector<16xi32>
          %add3A_592 = arith.addi %broadcast_in_dim3A_590, %add3A_591 : vector<16xi32>
          %mul3A_593 = arith.mulf %exp3A, %gather3A_481 : vector<16xf32>
          tpu.vector_store_idx %arg14[%add3A_338, %add3A_592], %mul3A_593 : memref<80x144xf32, #tpu.memory_space<vmem>>[vector<16xi32>, vector<16xi32>], vector<16xf32>,
          %broadcast_in_dim3A_594 = arith.constant 13 : i32
          %broadcast_in_dim3A_595 = vector.broadcast %broadcast_in_dim3A_594 : i32 to vector<16xi32>
          %add3A_596 = vector.broadcast %mul3A_400 : i32 to vector<16xi32>
          %add3A_597 = arith.addi %broadcast_in_dim3A_595, %add3A_596 : vector<16xi32>
          %mul3A_598 = arith.mulf %exp3A, %gather3A_486 : vector<16xf32>
          tpu.vector_store_idx %arg14[%add3A_338, %add3A_597], %mul3A_598 : memref<80x144xf32, #tpu.memory_space<vmem>>[vector<16xi32>, vector<16xi32>], vector<16xf32>,
          %broadcast_in_dim3A_599 = arith.constant 14 : i32
          %broadcast_in_dim3A_600 = vector.broadcast %broadcast_in_dim3A_599 : i32 to vector<16xi32>
          %add3A_601 = vector.broadcast %mul3A_400 : i32 to vector<16xi32>
          %add3A_602 = arith.addi %broadcast_in_dim3A_600, %add3A_601 : vector<16xi32>
          %mul3A_603 = arith.mulf %exp3A, %gather3A_491 : vector<16xf32>
          tpu.vector_store_idx %arg14[%add3A_338, %add3A_602], %mul3A_603 : memref<80x144xf32, #tpu.memory_space<vmem>>[vector<16xi32>, vector<16xi32>], vector<16xf32>,
          %broadcast_in_dim3A_604 = arith.constant 15 : i32
          %broadcast_in_dim3A_605 = vector.broadcast %broadcast_in_dim3A_604 : i32 to vector<16xi32>
          %add3A_606 = vector.broadcast %mul3A_400 : i32 to vector<16xi32>
          %add3A_607 = arith.addi %broadcast_in_dim3A_605, %add3A_606 : vector<16xi32>
          %mul3A_608 = arith.mulf %exp3A, %gather3A_496 : vector<16xf32>
          tpu.vector_store_idx %arg14[%add3A_338, %add3A_607], %mul3A_608 : memref<80x144xf32, #tpu.memory_space<vmem>>[vector<16xi32>, vector<16xi32>], vector<16xf32>,
          %broadcast_in_dim3A_609 = arith.constant 128 : i32
          %broadcast_in_dim3A_610 = vector.broadcast %broadcast_in_dim3A_609 : i32 to vector<16xi32>
          %add3A_611 = vector.broadcast %scan3A_398 : i32 to vector<16xi32>
          %add3A_612 = arith.addi %broadcast_in_dim3A_610, %add3A_611 : vector<16xi32>
          tpu.vector_store_idx %arg14[%add3A_338, %add3A_612], %exp3A : memref<80x144xf32, #tpu.memory_space<vmem>>[vector<16xi32>, vector<16xi32>], vector<16xf32>,
        }
        %scan3A_393 = arith.constant 8 : i32
        %broadcast_in_dim3A_394 = arith.constant 136 : i32
        %broadcast_in_dim3A_395 = vector.broadcast %broadcast_in_dim3A_394 : i32 to vector<16xi32>
        %broadcast_in_dim3A_396 = arith.constant 1.000000e+00 : f32
        %broadcast_in_dim3A_397 = vector.broadcast %broadcast_in_dim3A_396 : f32 to vector<16xf32>
        tpu.vector_store_idx %arg14[%add3A_338, %broadcast_in_dim3A_395], %broadcast_in_dim3A_397 : memref<80x144xf32, #tpu.memory_space<vmem>>[vector<16xi32>, vector<16xi32>], vector<16xf32>,
      }
      %scan3A_268 = arith.constant 5 : i32
      %eq3A_269 = arith.constant 0 : i32
      %eq3A_270 = arith.cmpi eq, %rem3A_118, %eq3A_269 : i32
      %convert_element_type3A_271 = arith.extui %eq3A_270 : i1 to i32
      %cond3A_272 = arith.constant 0 : i32
      %cond3A_273 = arith.cmpi ne, %convert_element_type3A_271, %cond3A_272 : i32
      scf.if %cond3A_273 {
        %dma_start3A_334 = arith.constant 0 : i32
        %dma_start3A_335 = arith.constant 0 : i32
        %dma_start3A_336 = tpu.memref_slice %arg8[%dma_start3A_334, %dma_start3A_335] : memref<2x80xi32, #tpu.memory_space<vmem>> -> memref<1x80xi32, #tpu.memory_space<vmem>>
        %dma_start3A_337 = tpu.memref_squeeze %dma_start3A_336 : memref<1x80xi32, #tpu.memory_space<vmem>> -> memref<80xi32, #tpu.memory_space<vmem>>
        %dma_start3A_338 = arith.constant 0 : i32
        %dma_start3A_339 = arith.constant 0 : i32
        %dma_start3A_340 = tpu.memref_slice %arg7[%dma_start3A_338, %dma_start3A_339] : memref<10000x144xf32, #tpu.memory_space<vmem_shared>> -> memref<10000x144xf32, #tpu.memory_space<vmem_shared>>
        tpu.enqueue_indirect_dma source(%arg14 : memref<80x144xf32, #tpu.memory_space<vmem>>) target(%dma_start3A_340 : memref<10000x144xf32, #tpu.memory_space<vmem_shared>>) offsets(%dma_start3A_337 : memref<80xi32, #tpu.memory_space<vmem>>) semaphore(%arg24 : memref<!tpu.dma_semaphore, #tpu.memory_space<semaphore_mem>>) {add = true}
      } else {
      }
      %eq3A_274 = arith.constant 1 : i32
      %eq3A_275 = arith.cmpi eq, %rem3A_118, %eq3A_274 : i32
      %convert_element_type3A_276 = arith.extui %eq3A_275 : i1 to i32
      %cond3A_277 = arith.constant 0 : i32
      %cond3A_278 = arith.cmpi ne, %convert_element_type3A_276, %cond3A_277 : i32
      scf.if %cond3A_278 {
        %dma_start3A_334 = arith.constant 0 : i32
        %dma_start3A_335 = arith.constant 0 : i32
        %dma_start3A_336 = tpu.memref_slice %arg9[%dma_start3A_334, %dma_start3A_335] : memref<2x80xi32, #tpu.memory_space<vmem>> -> memref<1x80xi32, #tpu.memory_space<vmem>>
        %dma_start3A_337 = tpu.memref_squeeze %dma_start3A_336 : memref<1x80xi32, #tpu.memory_space<vmem>> -> memref<80xi32, #tpu.memory_space<vmem>>
        %dma_start3A_338 = arith.constant 0 : i32
        %dma_start3A_339 = arith.constant 0 : i32
        %dma_start3A_340 = tpu.memref_slice %arg7[%dma_start3A_338, %dma_start3A_339] : memref<10000x144xf32, #tpu.memory_space<vmem_shared>> -> memref<10000x144xf32, #tpu.memory_space<vmem_shared>>
        tpu.enqueue_indirect_dma source(%arg14 : memref<80x144xf32, #tpu.memory_space<vmem>>) target(%dma_start3A_340 : memref<10000x144xf32, #tpu.memory_space<vmem_shared>>) offsets(%dma_start3A_337 : memref<80xi32, #tpu.memory_space<vmem>>) semaphore(%arg24 : memref<!tpu.dma_semaphore, #tpu.memory_space<semaphore_mem>>) {add = true}
      } else {
      }
      %eq3A_279 = arith.constant 2 : i32
      %eq3A_280 = arith.cmpi eq, %rem3A_118, %eq3A_279 : i32
      %convert_element_type3A_281 = arith.extui %eq3A_280 : i1 to i32
      %cond3A_282 = arith.constant 0 : i32
      %cond3A_283 = arith.cmpi ne, %convert_element_type3A_281, %cond3A_282 : i32
      scf.if %cond3A_283 {
        %dma_start3A_334 = arith.constant 0 : i32
        %dma_start3A_335 = arith.constant 0 : i32
        %dma_start3A_336 = tpu.memref_slice %arg10[%dma_start3A_334, %dma_start3A_335] : memref<2x80xi32, #tpu.memory_space<vmem>> -> memref<1x80xi32, #tpu.memory_space<vmem>>
        %dma_start3A_337 = tpu.memref_squeeze %dma_start3A_336 : memref<1x80xi32, #tpu.memory_space<vmem>> -> memref<80xi32, #tpu.memory_space<vmem>>
        %dma_start3A_338 = arith.constant 0 : i32
        %dma_start3A_339 = arith.constant 0 : i32
        %dma_start3A_340 = tpu.memref_slice %arg7[%dma_start3A_338, %dma_start3A_339] : memref<10000x144xf32, #tpu.memory_space<vmem_shared>> -> memref<10000x144xf32, #tpu.memory_space<vmem_shared>>
        tpu.enqueue_indirect_dma source(%arg14 : memref<80x144xf32, #tpu.memory_space<vmem>>) target(%dma_start3A_340 : memref<10000x144xf32, #tpu.memory_space<vmem_shared>>) offsets(%dma_start3A_337 : memref<80xi32, #tpu.memory_space<vmem>>) semaphore(%arg24 : memref<!tpu.dma_semaphore, #tpu.memory_space<semaphore_mem>>) {add = true}
      } else {
      }
      %add3A_284 = arith.constant 2 : i32
      %add3A_285 = arith.addi %scan3A_115, %add3A_284 : i32
      %lt3A_286 = arith.constant 125 : i32
      %lt3A_287 = arith.cmpi slt, %add3A_285, %lt3A_286 : i32
      %eq3A_288 = arith.constant 0 : i32
      %eq3A_289 = arith.cmpi eq, %rem3A_128, %eq3A_288 : i32
      %and3A_290 = arith.andi %lt3A_287, %eq3A_289 : i1
      %convert_element_type3A_291 = arith.extui %and3A_290 : i1 to i32
      %cond3A_292 = arith.constant 0 : i32
      %cond3A_293 = arith.cmpi ne, %convert_element_type3A_291, %cond3A_292 : i32
      scf.if %cond3A_293 {
        %add3A_334 = arith.constant 2 : i32
        %add3A_335 = arith.addi %scan3A_115, %add3A_334 : i32
        %mul3A_336 = arith.constant 80 : i32
        %mul3A_337 = arith.muli %add3A_335, %mul3A_336 : i32
        %add3A_338 = arith.addi %mul3A_20, %mul3A_337 : i32
        %dma_start3A_339 = arith.constant 0 : i32
        %dma_start3A_340 = tpu.memref_slice %arg4[%dma_start3A_339, %add3A_338] : memref<2x320000xi32, #tpu.memory_space<hbm>> -> memref<2x80xi32, #tpu.memory_space<hbm>>
        %dma_start3A_341 = arith.constant 0 : i32
        %dma_start3A_342 = tpu.memref_slice %arg4[%dma_start3A_341, %add3A_338] : memref<2x320000xi32, #tpu.memory_space<hbm>> -> memref<2x80xi32, #tpu.memory_space<hbm>>
        tpu.enqueue_dma source(%dma_start3A_342 : memref<2x80xi32, #tpu.memory_space<hbm>>) target(%arg8 : memref<2x80xi32, #tpu.memory_space<vmem>>) target_semaphore(%arg15 : memref<!tpu.dma_semaphore, #tpu.memory_space<semaphore_mem>>)
      } else {
      }
      %add3A_294 = arith.constant 2 : i32
      %add3A_295 = arith.addi %scan3A_115, %add3A_294 : i32
      %lt3A_296 = arith.constant 125 : i32
      %lt3A_297 = arith.cmpi slt, %add3A_295, %lt3A_296 : i32
      %eq3A_298 = arith.constant 1 : i32
      %eq3A_299 = arith.cmpi eq, %rem3A_128, %eq3A_298 : i32
      %and3A_300 = arith.andi %lt3A_297, %eq3A_299 : i1
      %convert_element_type3A_301 = arith.extui %and3A_300 : i1 to i32
      %cond3A_302 = arith.constant 0 : i32
      %cond3A_303 = arith.cmpi ne, %convert_element_type3A_301, %cond3A_302 : i32
      scf.if %cond3A_303 {
        %add3A_334 = arith.constant 2 : i32
        %add3A_335 = arith.addi %scan3A_115, %add3A_334 : i32
        %mul3A_336 = arith.constant 80 : i32
        %mul3A_337 = arith.muli %add3A_335, %mul3A_336 : i32
        %add3A_338 = arith.addi %mul3A_20, %mul3A_337 : i32
        %dma_start3A_339 = arith.constant 0 : i32
        %dma_start3A_340 = tpu.memref_slice %arg4[%dma_start3A_339, %add3A_338] : memref<2x320000xi32, #tpu.memory_space<hbm>> -> memref<2x80xi32, #tpu.memory_space<hbm>>
        %dma_start3A_341 = arith.constant 0 : i32
        %dma_start3A_342 = tpu.memref_slice %arg4[%dma_start3A_341, %add3A_338] : memref<2x320000xi32, #tpu.memory_space<hbm>> -> memref<2x80xi32, #tpu.memory_space<hbm>>
        tpu.enqueue_dma source(%dma_start3A_342 : memref<2x80xi32, #tpu.memory_space<hbm>>) target(%arg9 : memref<2x80xi32, #tpu.memory_space<vmem>>) target_semaphore(%arg16 : memref<!tpu.dma_semaphore, #tpu.memory_space<semaphore_mem>>)
      } else {
      }
      %add3A_304 = arith.constant 2 : i32
      %add3A_305 = arith.addi %scan3A_115, %add3A_304 : i32
      %lt3A_306 = arith.constant 125 : i32
      %lt3A_307 = arith.cmpi slt, %add3A_305, %lt3A_306 : i32
      %eq3A_308 = arith.constant 2 : i32
      %eq3A_309 = arith.cmpi eq, %rem3A_128, %eq3A_308 : i32
      %and3A_310 = arith.andi %lt3A_307, %eq3A_309 : i1
      %convert_element_type3A_311 = arith.extui %and3A_310 : i1 to i32
      %cond3A_312 = arith.constant 0 : i32
      %cond3A_313 = arith.cmpi ne, %convert_element_type3A_311, %cond3A_312 : i32
      scf.if %cond3A_313 {
        %add3A_334 = arith.constant 2 : i32
        %add3A_335 = arith.addi %scan3A_115, %add3A_334 : i32
        %mul3A_336 = arith.constant 80 : i32
        %mul3A_337 = arith.muli %add3A_335, %mul3A_336 : i32
        %add3A_338 = arith.addi %mul3A_20, %mul3A_337 : i32
        %dma_start3A_339 = arith.constant 0 : i32
        %dma_start3A_340 = tpu.memref_slice %arg4[%dma_start3A_339, %add3A_338] : memref<2x320000xi32, #tpu.memory_space<hbm>> -> memref<2x80xi32, #tpu.memory_space<hbm>>
        %dma_start3A_341 = arith.constant 0 : i32
        %dma_start3A_342 = tpu.memref_slice %arg4[%dma_start3A_341, %add3A_338] : memref<2x320000xi32, #tpu.memory_space<hbm>> -> memref<2x80xi32, #tpu.memory_space<hbm>>
        tpu.enqueue_dma source(%dma_start3A_342 : memref<2x80xi32, #tpu.memory_space<hbm>>) target(%arg10 : memref<2x80xi32, #tpu.memory_space<vmem>>) target_semaphore(%arg17 : memref<!tpu.dma_semaphore, #tpu.memory_space<semaphore_mem>>)
      } else {
      }
      %add3A_314 = arith.constant 2 : i32
      %add3A_315 = arith.addi %scan3A_115, %add3A_314 : i32
      %lt3A_316 = arith.constant 125 : i32
      %lt3A_317 = arith.cmpi slt, %add3A_315, %lt3A_316 : i32
      %eq3A_318 = arith.constant 0 : i32
      %eq3A_319 = arith.cmpi eq, %rem3A_116, %eq3A_318 : i32
      %and3A_320 = arith.andi %lt3A_317, %eq3A_319 : i1
      %convert_element_type3A_321 = arith.extui %and3A_320 : i1 to i32
      %cond3A_322 = arith.constant 0 : i32
      %cond3A_323 = arith.cmpi ne, %convert_element_type3A_321, %cond3A_322 : i32
      scf.if %cond3A_323 {
        %add3A_334 = arith.constant 2 : i32
        %add3A_335 = arith.addi %scan3A_115, %add3A_334 : i32
        %mul3A_336 = arith.constant 80 : i32
        %mul3A_337 = arith.muli %add3A_335, %mul3A_336 : i32
        %add3A_338 = arith.addi %mul3A_20, %mul3A_337 : i32
        %dma_start3A_339 = arith.constant 0 : i32
        %dma_start3A_340 = arith.constant 0 : i32
        %dma_start3A_341 = tpu.memref_slice %arg11[%dma_start3A_339, %dma_start3A_340] : memref<160x16xf32, #tpu.memory_space<vmem>> -> memref<80x16xf32, #tpu.memory_space<vmem>>
        %dma_start3A_342 = arith.constant 0 : i32
        %dma_start3A_343 = tpu.memref_slice %arg5[%add3A_338, %dma_start3A_342] : memref<320000x16xf32, #tpu.memory_space<hbm>> -> memref<80x16xf32, #tpu.memory_space<hbm>>
        %dma_start3A_344 = arith.constant 0 : i32
        %dma_start3A_345 = arith.constant 0 : i32
        %dma_start3A_346 = tpu.memref_slice %arg11[%dma_start3A_344, %dma_start3A_345] : memref<160x16xf32, #tpu.memory_space<vmem>> -> memref<80x16xf32, #tpu.memory_space<vmem>>
        %dma_start3A_347 = arith.constant 0 : i32
        %dma_start3A_348 = tpu.memref_slice %arg5[%add3A_338, %dma_start3A_347] : memref<320000x16xf32, #tpu.memory_space<hbm>> -> memref<80x16xf32, #tpu.memory_space<hbm>>
        tpu.enqueue_dma source(%dma_start3A_348 : memref<80x16xf32, #tpu.memory_space<hbm>>) target(%dma_start3A_346 : memref<80x16xf32, #tpu.memory_space<vmem>>) target_semaphore(%arg18 : memref<!tpu.dma_semaphore, #tpu.memory_space<semaphore_mem>>)
      } else {
      }
      %add3A_324 = arith.constant 2 : i32
      %add3A_325 = arith.addi %scan3A_115, %add3A_324 : i32
      %lt3A_326 = arith.constant 125 : i32
      %lt3A_327 = arith.cmpi slt, %add3A_325, %lt3A_326 : i32
      %eq3A_328 = arith.constant 1 : i32
      %eq3A_329 = arith.cmpi eq, %rem3A_116, %eq3A_328 : i32
      %and3A_330 = arith.andi %lt3A_327, %eq3A_329 : i1
      %convert_element_type3A_331 = arith.extui %and3A_330 : i1 to i32
      %cond3A_332 = arith.constant 0 : i32
      %cond3A_333 = arith.cmpi ne, %convert_element_type3A_331, %cond3A_332 : i32
      scf.if %cond3A_333 {
        %add3A_334 = arith.constant 2 : i32
        %add3A_335 = arith.addi %scan3A_115, %add3A_334 : i32
        %mul3A_336 = arith.constant 80 : i32
        %mul3A_337 = arith.muli %add3A_335, %mul3A_336 : i32
        %add3A_338 = arith.addi %mul3A_20, %mul3A_337 : i32
        %dma_start3A_339 = arith.constant 80 : i32
        %dma_start3A_340 = arith.constant 0 : i32
        %dma_start3A_341 = tpu.memref_slice %arg11[%dma_start3A_339, %dma_start3A_340] : memref<160x16xf32, #tpu.memory_space<vmem>> -> memref<80x16xf32, #tpu.memory_space<vmem>>
        %dma_start3A_342 = arith.constant 0 : i32
        %dma_start3A_343 = tpu.memref_slice %arg5[%add3A_338, %dma_start3A_342] : memref<320000x16xf32, #tpu.memory_space<hbm>> -> memref<80x16xf32, #tpu.memory_space<hbm>>
        %dma_start3A_344 = arith.constant 80 : i32
        %dma_start3A_345 = arith.constant 0 : i32
        %dma_start3A_346 = tpu.memref_slice %arg11[%dma_start3A_344, %dma_start3A_345] : memref<160x16xf32, #tpu.memory_space<vmem>> -> memref<80x16xf32, #tpu.memory_space<vmem>>
        %dma_start3A_347 = arith.constant 0 : i32
        %dma_start3A_348 = tpu.memref_slice %arg5[%add3A_338, %dma_start3A_347] : memref<320000x16xf32, #tpu.memory_space<hbm>> -> memref<80x16xf32, #tpu.memory_space<hbm>>
        tpu.enqueue_dma source(%dma_start3A_348 : memref<80x16xf32, #tpu.memory_space<hbm>>) target(%dma_start3A_346 : memref<80x16xf32, #tpu.memory_space<vmem>>) target_semaphore(%arg19 : memref<!tpu.dma_semaphore, #tpu.memory_space<semaphore_mem>>)
      } else {
      }
    }
    %scan3A_94 = arith.constant 125 : i32
    %dma_wait3A_95 = arith.constant 0 : i32
    %dma_wait3A_96 = arith.constant 0 : i32
    %dma_wait3A_97 = tpu.memref_slice %arg9[%dma_wait3A_95, %dma_wait3A_96] : memref<2x80xi32, #tpu.memory_space<vmem>> -> memref<1x80xi32, #tpu.memory_space<vmem>>
    %dma_wait3A_98 = tpu.memref_squeeze %dma_wait3A_97 : memref<1x80xi32, #tpu.memory_space<vmem>> -> memref<80xi32, #tpu.memory_space<vmem>>
    %dma_wait3A_99 = arith.constant 0 : i32
    %dma_wait3A_100 = arith.constant 0 : i32
    %dma_wait3A_101 = tpu.memref_slice %arg7[%dma_wait3A_99, %dma_wait3A_100] : memref<10000x144xf32, #tpu.memory_space<vmem_shared>> -> memref<10000x144xf32, #tpu.memory_space<vmem_shared>>
    tpu.wait_indirect_dma semaphore(%arg24 : memref<!tpu.dma_semaphore, #tpu.memory_space<semaphore_mem>>) src(%arg14 : memref<80x144xf32, #tpu.memory_space<vmem>>) dst(%dma_wait3A_101 : memref<10000x144xf32, #tpu.memory_space<vmem_shared>>)
    %barrier3A_102 = arith.constant 0 : index
    tpu.barrier barrier_id(%barrier3A_102)
    %scan3A_103 = arith.constant 0 : i32
    %scan3A_104 = arith.constant 0 : i32
    %scan3A_105 = arith.constant 25 : i32
    %scan3A_106 = arith.addi %scan3A_104, %scan3A_105 : i32
    %scan3A_107 = arith.constant 1 : i32
    scf.for %scan3A_115 = %scan3A_104 to %scan3A_106 step %scan3A_107  : i32 {
      %mul3A_116 = arith.constant 625 : i32
      %mul3A_117 = arith.muli %arg1, %mul3A_116 : i32
      %mul3A_118 = arith.constant 25 : i32
      %mul3A_119 = arith.muli %scan3A_115, %mul3A_118 : i32
      %add3A_120 = arith.addi %mul3A_117, %mul3A_119 : i32
      %dma_start3A_121 = arith.constant 0 : i32
      %dma_start3A_122 = tpu.memref_slice %arg6[%arg0, %add3A_120, %dma_start3A_121] : memref<2x10000x144xf32, #tpu.memory_space<hbm>> -> memref<1x25x144xf32, #tpu.memory_space<hbm>>
      %dma_start3A_123 = tpu.memref_squeeze %dma_start3A_122 : memref<1x25x144xf32, #tpu.memory_space<hbm>> -> memref<25x144xf32, #tpu.memory_space<hbm>>
      %dma_start3A_124 = arith.constant 0 : i32
      %dma_start3A_125 = tpu.memref_slice %arg7[%add3A_120, %dma_start3A_124] : memref<10000x144xf32, #tpu.memory_space<vmem_shared>> -> memref<25x144xf32, #tpu.memory_space<vmem_shared>>
      tpu.enqueue_dma source(%dma_start3A_125 : memref<25x144xf32, #tpu.memory_space<vmem_shared>>) target(%dma_start3A_123 : memref<25x144xf32, #tpu.memory_space<hbm>>) target_semaphore(%arg15 : memref<!tpu.dma_semaphore, #tpu.memory_space<semaphore_mem>>)
    }
    %scan3A_108 = arith.constant 25 : i32
    %scan3A_109 = arith.constant 0 : i32
    %scan3A_110 = arith.constant 0 : i32
    %scan3A_111 = arith.constant 25 : i32
    %scan3A_112 = arith.addi %scan3A_110, %scan3A_111 : i32
    %scan3A_113 = arith.constant 1 : i32
    scf.for %scan3A_115 = %scan3A_110 to %scan3A_112 step %scan3A_113  : i32 {
      %mul3A_116 = arith.constant 625 : i32
      %mul3A_117 = arith.muli %arg1, %mul3A_116 : i32
      %mul3A_118 = arith.constant 25 : i32
      %mul3A_119 = arith.muli %scan3A_115, %mul3A_118 : i32
      %add3A_120 = arith.addi %mul3A_117, %mul3A_119 : i32
      %dma_wait3A_121 = arith.constant 0 : i32
      %dma_wait3A_122 = tpu.memref_slice %arg6[%arg0, %add3A_120, %dma_wait3A_121] : memref<2x10000x144xf32, #tpu.memory_space<hbm>> -> memref<1x25x144xf32, #tpu.memory_space<hbm>>
      %dma_wait3A_123 = tpu.memref_squeeze %dma_wait3A_122 : memref<1x25x144xf32, #tpu.memory_space<hbm>> -> memref<25x144xf32, #tpu.memory_space<hbm>>
      %dma_wait3A_124 = arith.constant 0 : i32
      %dma_wait3A_125 = tpu.memref_slice %arg7[%add3A_120, %dma_wait3A_124] : memref<10000x144xf32, #tpu.memory_space<vmem_shared>> -> memref<25x144xf32, #tpu.memory_space<vmem_shared>>
      tpu.wait_dma2 semaphore(%arg15 : memref<!tpu.dma_semaphore, #tpu.memory_space<semaphore_mem>>) src(%dma_wait3A_125 : memref<25x144xf32, #tpu.memory_space<vmem_shared>>) dst(%dma_wait3A_123 : memref<25x144xf32, #tpu.memory_space<hbm>>)
    }
    %scan3A_114 = arith.constant 25 : i32
    return
  }
}

module attributes {stable_mosaic.version = 14 : i64} {
  func.func @_tc_prep(%arg0: i32, %arg1: memref<1000x128xf32, #tpu.memory_space<vmem>>, %arg2: memref<128x128xf32, #tpu.memory_space<vmem>>, %arg3: memref<128x16xf32, #tpu.memory_space<vmem>>, %arg4: memref<128x16xf32, #tpu.memory_space<vmem>>, %arg5: memref<1000x144xf32, #tpu.memory_space<vmem>>, %arg6: memref<1000x16xf32, #tpu.memory_space<vmem>>) attributes {dimension_semantics = [#tpu.dimension_semantics<arbitrary>], iteration_bounds = array<i64: 10>, scalar_prefetch = 0 : i64, scratch_operands = 0 : i64, tpu.core_type = #tpu.core_type<tc>, window_params = [{transform_indices = @transform_0, window_bounds = array<i64: 1000, 128>}, {pipeline_mode = #tpu.pipeline_mode<synchronous>, transform_indices = @transform_1, window_bounds = array<i64: 128, 128>}, {pipeline_mode = #tpu.pipeline_mode<synchronous>, transform_indices = @transform_2, window_bounds = array<i64: 128, 16>}, {pipeline_mode = #tpu.pipeline_mode<synchronous>, transform_indices = @transform_3, window_bounds = array<i64: 128, 16>}, {transform_indices = @transform_4, window_bounds = array<i64: 1000, 144>}, {transform_indices = @transform_5, window_bounds = array<i64: 1000, 16>}]} {
    %get3A = arith.constant 0 : index
    %get3A_0 = arith.constant 0 : index
    %get3A_1 = vector.load %arg1[%get3A, %get3A_0] : memref<1000x128xf32, #tpu.memory_space<vmem>>, vector<1000x128xf32>
    %get3A_2 = arith.constant 0 : index
    %get3A_3 = arith.constant 0 : index
    %get3A_4 = vector.load %arg2[%get3A_2, %get3A_3] : memref<128x128xf32, #tpu.memory_space<vmem>>, vector<128x128xf32>
    %dot_general3A = arith.constant dense<0.000000e+00> : vector<1000x128xf32>
    %dot_general3A_5 = tpu.matmul %get3A_1, %get3A_4, %dot_general3A {dimension_numbers = #tpu.dot_dimension_numbers<[1], [0], [0], [1], [0, 0, 1, 1], [], []>, transpose_lhs_hint = false} : vector<1000x128xf32>, vector<128x128xf32>, vector<1000x128xf32> -> vector<1000x128xf32>
    %get3A_6 = arith.constant 0 : index
    %get3A_7 = arith.constant 0 : index
    %get3A_8 = vector.load %arg4[%get3A_6, %get3A_7] : memref<128x16xf32, #tpu.memory_space<vmem>>, vector<128x16xf32>
    %dot_general3A_9 = arith.constant dense<0.000000e+00> : vector<1000x16xf32>
    %dot_general3A_10 = tpu.matmul %dot_general3A_5, %get3A_8, %dot_general3A_9 {dimension_numbers = #tpu.dot_dimension_numbers<[1], [0], [0], [1], [0, 0, 1, 1], [], []>, transpose_lhs_hint = false} : vector<1000x128xf32>, vector<128x16xf32>, vector<1000x16xf32> -> vector<1000x16xf32>
    %concatenate3A = tpu.concatenate %dot_general3A_5, %dot_general3A_10 in 1 : vector<1000x128xf32>, vector<1000x16xf32> -> vector<1000x144xf32>
    %swap3A = arith.constant 0 : index
    %swap3A_11 = arith.constant 0 : index
    %swap3A_12 = vector.load %arg5[%swap3A, %swap3A_11] : memref<1000x144xf32, #tpu.memory_space<vmem>>, vector<1000x144xf32>
    tpu.vector_store %arg5[%swap3A, %swap3A_11], %concatenate3A {strides = array<i32>} : memref<1000x144xf32, #tpu.memory_space<vmem>>, vector<1000x144xf32>,
    %get3A_13 = arith.constant 0 : index
    %get3A_14 = arith.constant 0 : index
    %get3A_15 = vector.load %arg3[%get3A_13, %get3A_14] : memref<128x16xf32, #tpu.memory_space<vmem>>, vector<128x16xf32>
    %dot_general3A_16 = arith.constant dense<0.000000e+00> : vector<1000x16xf32>
    %dot_general3A_17 = tpu.matmul %dot_general3A_5, %get3A_15, %dot_general3A_16 {dimension_numbers = #tpu.dot_dimension_numbers<[1], [0], [0], [1], [0, 0, 1, 1], [], []>, transpose_lhs_hint = false} : vector<1000x128xf32>, vector<128x16xf32>, vector<1000x16xf32> -> vector<1000x16xf32>
    %swap3A_18 = arith.constant 0 : index
    %swap3A_19 = arith.constant 0 : index
    %swap3A_20 = vector.load %arg6[%swap3A_18, %swap3A_19] : memref<1000x16xf32, #tpu.memory_space<vmem>>, vector<1000x16xf32>
    tpu.vector_store %arg6[%swap3A_18, %swap3A_19], %dot_general3A_17 {strides = array<i32>} : memref<1000x16xf32, #tpu.memory_space<vmem>>, vector<1000x16xf32>,
    return
  }
  func.func @transform_0(%arg0: i32) -> (i32, i32) {
    %c0_i32 = arith.constant 0 : i32
    %c0_i32_0 = arith.constant 0 : i32
    return %arg0, %c0_i32 : i32, i32
  }
  func.func @transform_1(%arg0: i32) -> (i32, i32) {
    %c0_i32 = arith.constant 0 : i32
    %c0_i32_0 = arith.constant 0 : i32
    %c0_i32_1 = arith.constant 0 : i32
    return %c0_i32, %c0_i32_0 : i32, i32
  }
  func.func @transform_2(%arg0: i32) -> (i32, i32) {
    %c0_i32 = arith.constant 0 : i32
    %c0_i32_0 = arith.constant 0 : i32
    %c0_i32_1 = arith.constant 0 : i32
    return %c0_i32, %c0_i32_0 : i32, i32
  }
  func.func @transform_3(%arg0: i32) -> (i32, i32) {
    %c0_i32 = arith.constant 0 : i32
    %c0_i32_0 = arith.constant 0 : i32
    %c0_i32_1 = arith.constant 0 : i32
    return %c0_i32, %c0_i32_0 : i32, i32
  }
  func.func @transform_4(%arg0: i32) -> (i32, i32) {
    %c0_i32 = arith.constant 0 : i32
    %c0_i32_0 = arith.constant 0 : i32
    return %arg0, %c0_i32 : i32, i32
  }
  func.func @transform_5(%arg0: i32) -> (i32, i32) {
    %c0_i32 = arith.constant 0 : i32
    %c0_i32_0 = arith.constant 0 : i32
    return %arg0, %c0_i32 : i32, i32
  }
}

module attributes {stable_mosaic.version = 14 : i64} {
  func.func @_tc_combine(%arg0: i32, %arg1: memref<1000x144xf32, #tpu.memory_space<vmem>>, %arg2: memref<1000x144xf32, #tpu.memory_space<vmem>>, %arg3: memref<1000x144xf32, #tpu.memory_space<vmem>>, %arg4: memref<8x128xf32, #tpu.memory_space<vmem>>, %arg5: memref<1000x128xf32, #tpu.memory_space<vmem>>) attributes {dimension_semantics = [#tpu.dimension_semantics<arbitrary>], iteration_bounds = array<i64: 10>, scalar_prefetch = 0 : i64, scratch_operands = 0 : i64, tpu.core_type = #tpu.core_type<tc>, window_params = [{transform_indices = @transform_0, window_bounds = array<i64: 1000, 144>}, {transform_indices = @transform_1, window_bounds = array<i64: 1000, 144>}, {transform_indices = @transform_2, window_bounds = array<i64: 1000, 144>}, {pipeline_mode = #tpu.pipeline_mode<synchronous>, transform_indices = @transform_3, window_bounds = array<i64: 8, 128>}, {transform_indices = @transform_4, window_bounds = array<i64: 1000, 128>}]} {
    %get3A = arith.constant 0 : index
    %get3A_0 = arith.constant 0 : index
    %get3A_1 = vector.load %arg1[%get3A, %get3A_0] : memref<1000x144xf32, #tpu.memory_space<vmem>>, vector<1000x144xf32>
    %get3A_2 = arith.constant 0 : index
    %get3A_3 = arith.constant 0 : index
    %get3A_4 = vector.load %arg2[%get3A_2, %get3A_3] : memref<1000x144xf32, #tpu.memory_space<vmem>>, vector<1000x144xf32>
    %slice3A = vector.extract_strided_slice %get3A_1 {offsets = [0, 0], sizes = [1000, 128], strides = [1, 1]} : vector<1000x144xf32> to vector<1000x128xf32>
    %slice3A_5 = vector.extract_strided_slice %get3A_4 {offsets = [0, 0], sizes = [1000, 128], strides = [1, 1]} : vector<1000x144xf32> to vector<1000x128xf32>
    %add3A = arith.addf %slice3A, %slice3A_5 : vector<1000x128xf32>
    %slice3A_6 = vector.extract_strided_slice %get3A_1 {offsets = [0, 128], sizes = [1000, 8], strides = [1, 1]} : vector<1000x144xf32> to vector<1000x8xf32>
    %slice3A_7 = vector.extract_strided_slice %get3A_4 {offsets = [0, 128], sizes = [1000, 8], strides = [1, 1]} : vector<1000x144xf32> to vector<1000x8xf32>
    %add3A_8 = arith.addf %slice3A_6, %slice3A_7 : vector<1000x8xf32>
    %slice3A_9 = vector.extract_strided_slice %get3A_1 {offsets = [0, 136], sizes = [1000, 1], strides = [1, 1]} : vector<1000x144xf32> to vector<1000x1xf32>
    %slice3A_10 = vector.extract_strided_slice %get3A_4 {offsets = [0, 136], sizes = [1000, 1], strides = [1, 1]} : vector<1000x144xf32> to vector<1000x1xf32>
    %add3A_11 = arith.addf %slice3A_9, %slice3A_10 : vector<1000x1xf32>
    %sub3A = arith.constant 1.000000e+04 : f32
    %sub3A_12 = vector.broadcast %sub3A : f32 to vector<1000x1xf32>
    %sub3A_13 = arith.subf %sub3A_12, %add3A_11 : vector<1000x1xf32>
    %add3A_14 = vector.broadcast %sub3A_13 : vector<1000x1xf32> to vector<1000x8xf32>
    %add3A_15 = arith.addf %add3A_8, %add3A_14 : vector<1000x8xf32>
    %get3A_16 = arith.constant 0 : index
    %get3A_17 = arith.constant 0 : index
    %get3A_18 = vector.load %arg4[%get3A_16, %get3A_17] : memref<8x128xf32, #tpu.memory_space<vmem>>, vector<8x128xf32>
    %dot_general3A = arith.constant dense<0.000000e+00> : vector<1000x128xf32>
    %dot_general3A_19 = tpu.matmul %add3A_15, %get3A_18, %dot_general3A {dimension_numbers = #tpu.dot_dimension_numbers<[1], [0], [0], [1], [0, 0, 1, 1], [], []>, transpose_lhs_hint = false} : vector<1000x8xf32>, vector<8x128xf32>, vector<1000x128xf32> -> vector<1000x128xf32>
    %get3A_20 = arith.constant 0 : index
    %get3A_21 = arith.constant 0 : index
    %get3A_22 = vector.load %arg3[%get3A_20, %get3A_21] : memref<1000x144xf32, #tpu.memory_space<vmem>>, vector<1000x144xf32>
    %slice3A_23 = vector.extract_strided_slice %get3A_22 {offsets = [0, 0], sizes = [1000, 128], strides = [1, 1]} : vector<1000x144xf32> to vector<1000x128xf32>
    %gt3A = arith.constant 0.000000e+00 : f32
    %gt3A_24 = vector.broadcast %gt3A : f32 to vector<1000x1xf32>
    %gt3A_25 = arith.cmpf ogt, %add3A_11, %gt3A_24 : vector<1000x1xf32>
    %div3A = arith.divf %add3A, %dot_general3A_19 : vector<1000x128xf32>
    %broadcast_in_dim3A = vector.shape_cast %gt3A_25 : vector<1000x1xi1> to vector<1000x1xi1>
    %broadcast_in_dim3A_26 = vector.broadcast %broadcast_in_dim3A : vector<1000x1xi1> to vector<1000x128xi1>
    %select_n3A = arith.select %broadcast_in_dim3A_26, %div3A, %slice3A_23 : vector<1000x128xi1>, vector<1000x128xf32>
    %swap3A = arith.constant 0 : index
    %swap3A_27 = arith.constant 0 : index
    %swap3A_28 = vector.load %arg5[%swap3A, %swap3A_27] : memref<1000x128xf32, #tpu.memory_space<vmem>>, vector<1000x128xf32>
    tpu.vector_store %arg5[%swap3A, %swap3A_27], %select_n3A {strides = array<i32>} : memref<1000x128xf32, #tpu.memory_space<vmem>>, vector<1000x128xf32>,
    return
  }
  func.func @transform_0(%arg0: i32) -> (i32, i32) {
    %c0_i32 = arith.constant 0 : i32
    %c0_i32_0 = arith.constant 0 : i32
    return %arg0, %c0_i32 : i32, i32
  }
  func.func @transform_1(%arg0: i32) -> (i32, i32) {
    %c0_i32 = arith.constant 0 : i32
    %c0_i32_0 = arith.constant 0 : i32
    return %arg0, %c0_i32 : i32, i32
  }
  func.func @transform_2(%arg0: i32) -> (i32, i32) {
    %c0_i32 = arith.constant 0 : i32
    %c0_i32_0 = arith.constant 0 : i32
    return %arg0, %c0_i32 : i32, i32
  }
  func.func @transform_3(%arg0: i32) -> (i32, i32) {
    %c0_i32 = arith.constant 0 : i32
    %c0_i32_0 = arith.constant 0 : i32
    %c0_i32_1 = arith.constant 0 : i32
    return %c0_i32, %c0_i32_0 : i32, i32
  }
  func.func @transform_4(%arg0: i32) -> (i32, i32) {
    %c0_i32 = arith.constant 0 : i32
    %c0_i32_0 = arith.constant 0 : i32
    return %arg0, %c0_i32 : i32, i32
  }
}

</mosaic_0001>

<sc_bundles>
// kernel: kernel.5.cloned.1.call-start
scs
__scs_entry_jumppad:
0x0: {  	(pc) =	sbr.rel $0x88, $3  }
0x1: {  	(tag) =	ssettag $0x0;
	lr =	simm.s32 $0x1  }
0x2: {  	[smem:$0x3F9C] =	sst lr;
	_ =	strace $0xD0000000  }
0x3: {  	_ = 	snop  }
0x4: {  	_ = 	snop  }
0x5: {  	_ = 	snop  }
0x6: {  	_ = 	snop  }
0x7: {  	_ = 	snop  }
__scs_overlays_trampoline_lowered:
0x8: {  	[smem:$0x3FAB] =	sst s0  }
0x9: {  	[smem:$0x3FAC] =	sst s1  }
0xa: {  	[smem:$0x3FAD] =	sst s2  }
0xb: {  	[smem:$0x3FAE] =	sst s3  }
0xc: {  	[smem:$0x3FAF] =	sst s4  }
0xd: {  	[smem:$0x3FB0] =	sst s5  }
0xe: {  	[smem:$0x3FB1] =	sst s6  }
0xf: {  	[smem:$0x3FB2] =	sst s7  }
0x10: {  	[smem:$0x3FB3] =	sst s8  }
0x11: {  	[smem:$0x3FB4] =	sst s9;
	s0 =	simm.s32 @!p0 $0x0  }
0x12: {  	s1 =	sld [smem:$0x3F9A];
	s0 =	simm.s32 @p0 $0x1  }
0x13: {  	[smem:$0x3FB5] =	sst s0;
	s0 =	simm.s32 @!p1 $0x0  }
0x14: {  	s2 =	sld [smem:$0x3F99];
	s0 =	simm.s32 @p1 $0x1  }
0x15: {  	[smem:$0x3FB6] =	sst s0;
	s0 =	simm.s32 @!p2 $0x0  }
0x16: {  	s3 =	sld [smem:$0x3FDB];
	s0 =	simm.s32 @p2 $0x1  }
0x17: {  	s4 =	simm.s32 $0x1BF5;
	[smem:$0x3FB8] =	sst s0  }
0x18: {  	s0 =	sld [smem:$0x3F9B];
	_ =	swait.ge [sflag:s4], $0x0  }
0x19: {  	s7 =	sld [smem:$0x3F9C]  }
0x1a: {  	s8 =	sadd.s32 $0xFFFFE003, lr  }
0x1b: {  	s9 =	sadd.s32 $0xFFFFFEF7, lr;
	s5 =	simm.s32 $0xFFFFFFFF;
	p2 =	slt.u32 s8, $0xFFFFF086  }
0x1c: {  	p1 =	slt.u32 s9, $0xF7A;
	s5 =	simm.s32 @!p2 $0x0  }
0x1d: {  	s5 =	simm.s32 @p1 $0x1;
	p0 =	seq.s32 s7, s2  }
0x1e: {  	s7 =	smul.u32 @!p0 $0xF7A, s2;
	p2 =	seq.s32 @!p0 s5, $0x0  }
0x1f: {  	s9 =	smul.u32 $0xF7A, s1;
	s8 =	simm.s32 @!p0 $0x1BF5;
	p2 =	por !p2, p0  }
0x20: {  	[sflag:s8] =	ssyncset.s32 @!p0 $0xFFFFF086;
	s6 =	sadd.s32 @!p0 s3, s7;
	s7 =	simm.s32 @!p0 $0x108  }
0x21: {  	s3 =	sadd.s32 s3, s9;
	s6 =	sadd.s32 @!p0 $0x88, s6;
	s7 =	simm.s32 @p2 $0x1082  }
0x22: {  	[simem:s7], [sflag:s8] =	dma.local @!p0 [hbm:s6], $0xF7A  }
0x23: {  	s9 =	sor.u32 $0xD0000000, s2;
	s6 =	simm.s32 $0x108;
	_ =	swait.ge @!p0 [sflag:s8], $0x0  }
0x24: {  	s3 =	sadd.s32 $0x88, s3;
	s6 =	simm.s32 @!p1 $0x1082;
	[sflag:s4] =	ssyncset.s32 $0xFFFFF086  }
0x25: {  	[simem:s6], [sflag:s4] =	dma.local [hbm:s3], $0xF7A  }
0x26: {  	[smem:$0x3F9C] =	sst s1;
	(tag) =	ssettag s2;
	_ =	strace s9  }
0x27: {  	s1 =	sld [smem:$0x3FAC]  }
0x28: {  	s2 =	sld [smem:$0x3FAD]  }
0x29: {  	s4 =	sld [smem:$0x3FAF]  }
0x2a: {  	p0 =	seq.s32 s5, $0x0;
	s5 =	sld [smem:$0x3FB0]  }
0x2b: {  	s6 =	sld [smem:$0x3FB1]  }
0x2c: {  	s7 =	sld [smem:$0x3FB2]  }
0x2d: {  	s3 =	simm.s32 $0x108;
	s8 =	sld [smem:$0x3FB3]  }
0x2e: {  	s3 =	simm.s32 @!p0 $0x1082;
	s9 =	sld [smem:$0x3FB4]  }
0x2f: {  	lr =	sadd.s32 s0, s3;
	s0 =	sld [smem:$0x3FAB]  }
0x30: {  	s3 =	sld [smem:$0x3FAE]  }
0x31: {  	[smem:$0x3FB7] =	sst s10  }
0x32: {  	s10 =	sld [smem:$0x3FB5];
	_ =	sdelay $0x3  }
0x33: {  	p0 =	seq.s32 s10, $0x1;
	s10 =	sld [smem:$0x3FB7];
	_ =	sdelay $0x3  }
0x34: {  	[smem:$0x3FB7] =	sst s10  }
0x35: {  	s10 =	sld [smem:$0x3FB6];
	_ =	sdelay $0x3  }
0x36: {  	p1 =	seq.s32 s10, $0x1;
	s10 =	sld [smem:$0x3FB7];
	_ =	sdelay $0x3  }
0x37: {  	[smem:$0x3FB7] =	sst s10  }
0x38: {  	s10 =	sld [smem:$0x3FB8]  }
0x39: {  	_ = 	snop;
	(pc) =	sbr.ind lr, $3  }
0x3a: {  	_ = 	snop  }
0x3b: {  	_ = 	snop  }
0x3c: {  	p2 =	seq.s32 s10, $0x1;
	s10 =	sld [smem:$0x3FB7]  }
0x3d: {  	_ =	shalt  }
0x3e: {  	_ =	shalt  }
0x3f: {  	_ =	shalt  }
0x40: {  	_ =	shalt  }
0x41: {  	_ =	shalt  }
0x42: {  	_ =	shalt  }
0x43: {  	_ =	shalt  }
0x44: {  	_ =	shalt  }
0x45: {  	_ =	shalt  }
0x46: {  	_ =	shalt  }
0x47: {  	_ =	shalt  }
0x48: {  	_ =	shalt  }
0x49: {  	_ =	shalt  }
0x4a: {  	_ =	shalt  }
0x4b: {  	_ =	shalt  }
0x4c: {  	_ =	shalt  }
0x4d: {  	_ =	shalt  }
0x4e: {  	_ =	shalt  }
0x4f: {  	_ =	shalt  }
0x50: {  	_ =	shalt  }
0x51: {  	_ =	shalt  }
0x52: {  	_ =	shalt  }
0x53: {  	_ =	shalt  }
0x54: {  	_ =	shalt  }
0x55: {  	_ =	shalt  }
0x56: {  	_ =	shalt  }
0x57: {  	_ =	shalt  }
0x58: {  	_ =	shalt  }
0x59: {  	_ =	shalt  }
0x5a: {  	_ =	shalt  }
0x5b: {  	_ =	shalt  }
0x5c: {  	_ =	shalt  }
0x5d: {  	_ =	shalt  }
0x5e: {  	_ =	shalt  }
0x5f: {  	_ =	shalt  }
0x60: {  	_ =	shalt  }
0x61: {  	_ =	shalt  }
0x62: {  	_ =	shalt  }
0x63: {  	_ =	shalt  }
0x64: {  	_ =	shalt  }
0x65: {  	_ =	shalt  }
0x66: {  	_ =	shalt  }
0x67: {  	_ =	shalt  }
0x68: {  	_ =	shalt  }
0x69: {  	_ =	shalt  }
0x6a: {  	_ =	shalt  }
0x6b: {  	_ =	shalt  }
0x6c: {  	_ =	shalt  }
0x6d: {  	_ =	shalt  }
0x6e: {  	_ =	shalt  }
0x6f: {  	_ =	shalt  }
0x70: {  	_ =	shalt  }
0x71: {  	_ =	shalt  }
0x72: {  	_ =	shalt  }
0x73: {  	_ =	shalt  }
0x74: {  	_ =	shalt  }
0x75: {  	_ =	shalt  }
0x76: {  	_ =	shalt  }
0x77: {  	_ =	shalt  }
0x78: {  	_ =	shalt  }
0x79: {  	_ =	shalt  }
0x7a: {  	_ =	shalt  }
0x7b: {  	_ =	shalt  }
0x7c: {  	_ =	shalt  }
0x7d: {  	_ =	shalt  }
0x7e: {  	_ =	shalt  }
0x7f: {  	_ =	shalt  }
0x80: {  	_ =	shalt  }
0x81: {  	_ =	shalt  }
0x82: {  	_ =	shalt  }
0x83: {  	_ =	shalt  }
0x84: {  	_ =	shalt  }
0x85: {  	_ =	shalt  }
0x86: {  	_ =	shalt  }
0x87: {  	_ =	shalt  }
.Lfunc_end0:
.L_simem_size_0:
called_computation_lowered:
.L_overlay_start_0:
0x88: {  	s2 =	sld [smem:$0x3FD9]  }
0x89: {  	s3 =	sld [smem:$0x3FFE];
	_ =	sdelay $0x1  }
0x8a: {  	s1 =	srdreg.scid  }
0x8b: {  	s0 =	sand.u32 $0x1, s1  }
0x8c: {  	s17 =	sshll.u32 s0, $0xA;
	s2 =	sadd.s32 s3, s2  }
0x8d: {  	s2 =	sadd.s32 s2, s17  }
0x8e: {  	[smem:$0x3FC3] =	sst s2  }
0x8f: {  	_ = 	snop  }
0x90: {  	s2 =	sld [smem:$0x3FD0];
	(tm) =	ssettm $0x1  }
0x91: {  	s18 =	sld [smem:$0x3FFB];
	_ =	sdelay $0x3  }
0x92: {  	_ =	strace s18  }
0x93: {  	s3 =	sld [smem:$0x3FFC];
	_ =	sdelay $0x3  }
0x94: {  	_ =	strace s3  }
0x95: {  	s3 =	sld [smem:$0x3FFD];
	_ =	sdelay $0x3  }
0x96: {  	_ =	strace s3  }
0x97: {  	_ =	strace $0x8FFFFFFF  }
0x98: {  	s19 =	sld [smem:$0x3FDB];
	_ =	sdelay $0x1  }
0x99: {  	s4 =	simm.s32 $_scs_section_size  }
0x9a: {  	s5 =	simm.s32 $_size__tile_overlayer_lowered;
	s6 =	simm.s32 $_tile_overlayer_lowered  }
0x9b: {  	s22 =	simm.s32 $0x1BFF;
	s21 =	sshll.u32 s6, $0x1;
	s3 =	sadd.s32 s4, s19  }
0x9c: {  	s7 =	simm.s32 $0x0;
	s20 =	sshll.u32 s5, $0x1;
	s5 =	sadd.s32 s21, s3  }
0x9d: {  	[timem:s7], [sflag:s22] =	dma.local [hbm:s5], s20  }
0x9e: {  	_ =	swait.ge [sflag:s22], s20  }
0x9f: {  	s4 =	ssub.s32 $0x0, s20;
	[sflag:s22] =	ssyncset.done $0x0  }
0xa0: {  	[sflag:s22] =	ssyncadd.s32 s4;
	_ =	sdelay $0x1  }
0xa1: {  	s23 =	simm.s32 $0x1B8B  }
0xa2: {  	_ =	swait.ge [sflag:s23], $0x1  }
0xa3: {  	[sflag:s23] =	ssyncset.done $0x0  }
0xa4: {  	s25 =	simm.s32 $0x1B8E;
	s24 =	sld [smem:$0x3FFE];
	[sflag:s23] =	ssyncadd.s32 $0xFFFFFFFF  }
0xa5: {  	s26 =	simm.s32 $execute0_lowered;
	[smem:$0x3FD2] =	sst s25  }
0xa6: {  	s5 =	sshll.u32 s26, $0x1;
	_ =	strace $0x80000046;
	[dreg:$0x1] =	wrdreg $0xFFFFFFFF  }
0xa7: {  	s28 =	simm.s32 $_size_execute0_lowered;
	s3 =	sadd.s32 s3, s5;
	[dreg:$0x0] =	wrdreg $0x0  }
0xa8: {  	s5 =	sshll.u32 s28, $0x1;
	[dreg:$0x2] =	wrdreg s3  }
0xa9: {  	[dreg:$0x3] =	wrdreg s5  }
0xaa: {  	[dreg:$0x4] =	wrdreg $0xC0  }
0xab: {  	_ =	task [dreg:s7], $0x5FFFF  }
0xac: {  	[dreg:$0x1] =	wrdreg $0xFFFFFFFF  }
0xad: {  	[dreg:$0x0] =	wrdreg $0x60  }
0xae: {  	[dreg:$0x2] =	wrdreg s24  }
0xaf: {  	[dreg:$0x3] =	wrdreg s2  }
0xb0: {  	[dreg:$0x4] =	wrdreg $0x0  }
0xb1: {  	[dreg:$0x5] =	wrdreg $0x9  }
0xb2: {  	_ =	task.clear_ibuf [dreg:s7], $0x6FFFF;
	_ =	strace $0x90000046  }
0xb3: {  	s29 =	simm.s32 $0x9;
	_ =	strace $0x80000048  }
0xb4: {  	_ =	swait.ge [sflag:s29], $0x1  }
0xb5: {  	[sflag:s29] =	ssyncadd.s32 $0xFFFFFFFF  }
0xb6: {  	_ =	strace $0x90000048  }
0xb7: {  	_ =	sfence  }
0xb8: {  	s30 =	sld [smem:$0x0];
	_ =	sdelay $0x2  }
0xb9: {  	s31 =	sshll.u32 s1, $0xD;
	s1 =	sshrl.u32 s1, $0x2  }
0xba: {  	s3 =	sand.u32 $0x4000, s31;
	s1 =	sadd.s32 s1, s30  }
0xbb: {  	s0 =	sor.u32 s3, s0;
	s1 =	sshll.u32 s1, $0x11  }
0xbc: {  	s0 =	sor.u32 s1, s0  }
0xbd: {  	s0 =	sadd.s32 $0x8F2B, s0  }
0xbe: {  	[sflag:s0] =	ssyncadd.remote.s32 $0x1  }
0xbf: {  	_ =	sfence.sel $0xFFFF  }
0xc0: {  	[dreg:$0x0] =	wrdreg $0xFFFFFFFF;
	(pc) =	sbr.abs _section_cstart, $3  }
0xc1: {  	[dreg:$0x1] =	wrdreg $0xFFFFFFFF  }
0xc2: {  	_ =	task.clear_ibuf [dreg:s7], $0x2FFFF;
	_ =	strace $0x9FFFFFFF  }
0xc3: {  	(tm) =	ssettm $0x7FFFFFFF  }
tec
execute0_lowered:
.L_overlay_start_1:
0x0: {  	(tag) =	ssettag $0x1  }
0x1: {  	s0 =	rddreg [dreg:$0x0]  }
0x2: {  	s1 =	rddreg [dreg:$0x1]  }
0x3: {  	s4 =	simm.s32 $0x0;
	s3 =	srdreg.scid;
	s12 =	stileid.u32  }
0x4: {  	[smem:$0x7FF] =	sst s4;
	s3 =	sand.u32 $0x1, s3;
	s9 =	smul.u32 $0x15F90, s12  }
0x5: {  	s2 =	rddreg [dreg:$0x2];
	s7 =	sadd.s32 $0x562400, s0;
	s8 =	smul.u32 $0x15F900, s3  }
0x6: {  	s10 =	sshll.u32 s12, $0x1;
	s12 =	smul.u32 $0x57E40, s12;
	s25 =	ssub.s32 $0x2, s3  }
0x7: {  	s3 =	sor.u32 s3, s10;
	s11 =	sshrl.u32 s25, $0x1;
	s8 =	sadd.s32 s9, s8  }
0x8: {  	s9 =	ssub.s32 s25, s11;
	s26 =	sshrl.u32 s8, $0x3;
	s8 =	smul.u32 $0x2710, s3  }
0x9: {  	_ =	strace $0x80000047;
	s3 =	smul.u32 $0x4E20, s3;
	s18 =	smax.u32 s9, $0x1  }
0xa: {  	s17 =	sshrl.u32 s12, $0x2;
	[dreg:$0x8] =	wrdreg s18;
	s13 =	sshrl.u32 s8, $0x3  }
0xb: {  	s14 =	sadd.s32 $0x50, s8;
	s3 =	sadd.s32 s7, s3;
	s10 =	sadd.s32 s1, s13  }
0xc: {  	[dreg:$0x5] =	wrdreg s3;
	s15 =	sshrl.u32 s14, $0x3;
	s16 =	sshll.u32 s14, $0x1  }
0xd: {  	s14 =	sadd.s32 s17, s2;
	[dreg:$0x4] =	wrdreg s10;
	s3 =	sadd.s32 s1, s15  }
0xe: {  	s19 =	sadd.s32 $0x1C20, s14;
	[dreg:$0x6] =	wrdreg s3  }
0xf: {  	s20 =	sadd.s32 $0x2A30, s14;
	[dreg:$0xa] =	wrdreg s19  }
0x10: {  	s21 =	sadd.s32 $0x3840, s14;
	[dreg:$0xb] =	wrdreg s20  }
0x11: {  	s22 =	sadd.s32 $0x4650, s14;
	[dreg:$0xc] =	wrdreg s21  }
0x12: {  	s23 =	sadd.s32 $0x5460, s14;
	[dreg:$0xd] =	wrdreg s22  }
0x13: {  	s5 =	sadd.s32 $0x4F400, s0;
	s24 =	sadd.s32 $0x6270, s14;
	[dreg:$0xe] =	wrdreg s23  }
0x14: {  	s6 =	sadd.s32 $0x7B400, s0;
	s25 =	sadd.s32 $0x7080, s14;
	[dreg:$0xf] =	wrdreg s24  }
0x15: {  	s0 =	sadd.s32 s26, s0;
	s26 =	sadd.s32 $0x7E90, s14;
	[dreg:$0x10] =	wrdreg s25  }
0x16: {  	s9 =	sadd.s32 $0x8CA0, s14;
	[dreg:$0x11] =	wrdreg s26  }
0x17: {  	s10 =	sadd.s32 $0x9AB0, s14;
	[dreg:$0x12] =	wrdreg s9  }
0x18: {  	s11 =	sadd.s32 $0xA8C0, s14;
	[dreg:$0x13] =	wrdreg s10  }
0x19: {  	s12 =	sadd.s32 $0xB6D0, s14;
	[dreg:$0x14] =	wrdreg s11  }
0x1a: {  	s15 =	sadd.s32 $0xC4E0, s14;
	[dreg:$0x15] =	wrdreg s12  }
0x1b: {  	s17 =	sadd.s32 $0xE100, s14;
	[dreg:$0x16] =	wrdreg s15  }
0x1c: {  	s18 =	sadd.s32 $0xEF10, s14;
	[dreg:$0x18] =	wrdreg s17  }
0x1d: {  	s13 =	sadd.s32 $0xE10, s14;
	[dreg:$0x19] =	wrdreg s18  }
0x1e: {  	s3 =	sadd.s32 s7, s16;
	[dreg:$0x9] =	wrdreg s13  }
0x1f: {  	s16 =	sadd.s32 $0xD2F0, s14;
	[dreg:$0x7] =	wrdreg s3  }
0x20: {  	s19 =	sadd.s32 $0xFD20, s14;
	[dreg:$0x17] =	wrdreg s16  }
0x21: {  	s20 =	sadd.s32 $0x10B30, s14;
	[dreg:$0x1a] =	wrdreg s19  }
0x22: {  	s28 =	simm.s32 $0x17570;
	s21 =	sadd.s32 $0x11940, s14;
	[dreg:$0x1b] =	wrdreg s20  }
0x23: {  	s29 =	simm.s32 $0x5;
	s22 =	sadd.s32 $0x12750, s14;
	[dreg:$0x1c] =	wrdreg s21  }
0x24: {  	s30 =	simm.s32 $0x1A270;
	s23 =	sadd.s32 $0x13560, s14;
	[dreg:$0x1d] =	wrdreg s22  }
0x25: {  	s31 =	simm.s32 $0x17070;
	s24 =	sadd.s32 $0x14370, s14;
	[dreg:$0x1e] =	wrdreg s23  }
0x26: {  	s25 =	sadd.s32 $0x80400, s0;
	s26 =	sadd.s32 $0x15180, s14;
	[dreg:$0x1f] =	wrdreg s24  }
0x27: {  	s18 =	simm.s32 $0x1CF70;
	s0 =	simm.s32 $0xA;
	[smem:$0x7FD] =	sst s26  }
0x28: {  	s19 =	simm.s32 $0x1;
	s20 =	simm.s32 $0x50;
	s22 =	simm.s32 $0x15F90  }
0x29: {  	v0 =	vimm.f32 $0.0e+00;
	v1 =	vlaneseq.u32;
	v2 =	vimm.f32 $1.000000000e+00;
	s23 =	simm.s32 $0x16170;
	s26 =	simm.s32 $0x15FE0;
	s21 =	simm.s32 $0x16B70  }
.LBB2_1:
0x2a: {  	s3 =	simm.s32 $0x0;
	s9 =	simm.s32 $0x240  }
.LBB2_2:
0x2b: {  	p0 =	sne.s32 s9, $0xB1C0;
	[tilespmem:s3+$0x1CFF0] =	vst v0  }
0x2c: {  	[tilespmem:s3+$0x1CF70] =	vst v0  }
0x2d: {  	[tilespmem:s3+$0x1CF80] =	vst v0  }
0x2e: {  	[tilespmem:s3+$0x1CF90] =	vst v0  }
.Ltmp0:
0x2f: {  	[tilespmem:s3+$0x1CFA0] =	vst v0;
	(pc) =	sbr.rel @p0 .LBB2_2-.Ltmp0, $4  }
0x30: {  	[tilespmem:s3+$0x1CFB0] =	vst v0  }
0x31: {  	[tilespmem:s3+$0x1CFC0] =	vst v0  }
0x32: {  	[tilespmem:s3+$0x1CFD0] =	vst v0  }
0x33: {  	[tilespmem:s3+$0x1CFE0] =	vst v0;
	s3 =	sshra.s32 s9, $0x2;
	s9 =	sadd.s32 $0x240, s9  }
0x34: {  	[tilespmem:s3+$0x1CFF0] =	vst v0  }
0x35: {  	[tilespmem:s3+$0x1CF70] =	vst v0  }
0x36: {  	[tilespmem:s3+$0x1CF80] =	vst v0  }
0x37: {  	[tilespmem:s3+$0x1CF90] =	vst v0  }
0x38: {  	[tilespmem:s3+$0x1CFA0] =	vst v0  }
0x39: {  	[tilespmem:s3+$0x1CFB0] =	vst v0  }
0x3a: {  	[tilespmem:s3+$0x1CFC0] =	vst v0  }
0x3b: {  	[tilespmem:s3+$0x1CFD0] =	vst v0  }
0x3c: {  	[tilespmem:s3+$0x1CFE0] =	vst v0  }
0x3d: {  	[spmem:s14] =	stream.linear.scatter [tilespmem:s18], [sflag:$0x1], $0xE10, $0x38;
	[tilespmem:$0x1FC70] =	vst v63  }
0x3e: {  	s24 =	rddreg [dreg:$0xa]  }
0x3f: {  	[spmem:s13] =	stream.linear.scatter [tilespmem:s18], [sflag:$0x1], $0xE10, $0x38;
	[tilespmem:$0x1FC70] =	vst v63  }
0x40: {  	s9 =	rddreg [dreg:$0xb]  }
0x41: {  	[spmem:s24] =	stream.linear.scatter [tilespmem:s18], [sflag:$0x1], $0xE10, $0x38;
	[tilespmem:$0x1FC70] =	vst v63  }
0x42: {  	s10 =	rddreg [dreg:$0xc]  }
0x43: {  	[spmem:s9] =	stream.linear.scatter [tilespmem:s18], [sflag:$0x1], $0xE10, $0x38;
	[tilespmem:$0x1FC70] =	vst v63  }
0x44: {  	s11 =	rddreg [dreg:$0xd]  }
0x45: {  	[spmem:s10] =	stream.linear.scatter [tilespmem:s18], [sflag:$0x1], $0xE10, $0x38;
	[tilespmem:$0x1FC70] =	vst v63  }
0x46: {  	s12 =	rddreg [dreg:$0xe]  }
0x47: {  	[spmem:s11] =	stream.linear.scatter [tilespmem:s18], [sflag:$0x1], $0xE10, $0x38;
	[tilespmem:$0x1FC70] =	vst v63  }
0x48: {  	s15 =	rddreg [dreg:$0x10]  }
0x49: {  	[spmem:s12] =	stream.linear.scatter [tilespmem:s18], [sflag:$0x1], $0xE10, $0x38;
	[tilespmem:$0x1FC70] =	vst v63  }
0x4a: {  	s13 =	rddreg [dreg:$0xf]  }
0x4b: {  	[spmem:s13] =	stream.linear.scatter [tilespmem:s18], [sflag:$0x1], $0xE10, $0x38;
	[tilespmem:$0x1FC70] =	vst v63  }
0x4c: {  	s16 =	rddreg [dreg:$0x11]  }
0x4d: {  	[spmem:s15] =	stream.linear.scatter [tilespmem:s18], [sflag:$0x1], $0xE10, $0x38;
	[tilespmem:$0x1FC70] =	vst v63  }
0x4e: {  	s17 =	rddreg [dreg:$0x12]  }
0x4f: {  	[spmem:s16] =	stream.linear.scatter [tilespmem:s18], [sflag:$0x1], $0xE10, $0x38;
	[tilespmem:$0x1FC70] =	vst v63  }
0x50: {  	s24 =	rddreg [dreg:$0x13]  }
0x51: {  	[spmem:s17] =	stream.linear.scatter [tilespmem:s18], [sflag:$0x1], $0xE10, $0x38;
	[tilespmem:$0x1FC70] =	vst v63  }
0x52: {  	s9 =	rddreg [dreg:$0x14]  }
0x53: {  	[spmem:s24] =	stream.linear.scatter [tilespmem:s18], [sflag:$0x1], $0xE10, $0x38;
	[tilespmem:$0x1FC70] =	vst v63  }
0x54: {  	s10 =	rddreg [dreg:$0x15]  }
0x55: {  	[spmem:s9] =	stream.linear.scatter [tilespmem:s18], [sflag:$0x1], $0xE10, $0x38;
	[tilespmem:$0x1FC70] =	vst v63  }
0x56: {  	s11 =	rddreg [dreg:$0x16]  }
0x57: {  	[spmem:s10] =	stream.linear.scatter [tilespmem:s18], [sflag:$0x1], $0xE10, $0x38;
	[tilespmem:$0x1FC70] =	vst v63  }
0x58: {  	s12 =	rddreg [dreg:$0x17]  }
0x59: {  	[spmem:s11] =	stream.linear.scatter [tilespmem:s18], [sflag:$0x1], $0xE10, $0x38;
	[tilespmem:$0x1FC70] =	vst v63  }
0x5a: {  	s13 =	rddreg [dreg:$0x18]  }
0x5b: {  	[spmem:s12] =	stream.linear.scatter [tilespmem:s18], [sflag:$0x1], $0xE10, $0x38;
	[tilespmem:$0x1FC70] =	vst v63  }
0x5c: {  	s15 =	rddreg [dreg:$0x19]  }
0x5d: {  	[spmem:s13] =	stream.linear.scatter [tilespmem:s18], [sflag:$0x1], $0xE10, $0x38;
	[tilespmem:$0x1FC70] =	vst v63  }
0x5e: {  	s16 =	rddreg [dreg:$0x1a]  }
0x5f: {  	[spmem:s15] =	stream.linear.scatter [tilespmem:s18], [sflag:$0x1], $0xE10, $0x38;
	[tilespmem:$0x1FC70] =	vst v63  }
0x60: {  	s17 =	rddreg [dreg:$0x1b]  }
0x61: {  	[spmem:s16] =	stream.linear.scatter [tilespmem:s18], [sflag:$0x1], $0xE10, $0x38;
	[tilespmem:$0x1FC70] =	vst v63  }
0x62: {  	s24 =	rddreg [dreg:$0x1c]  }
0x63: {  	[spmem:s17] =	stream.linear.scatter [tilespmem:s18], [sflag:$0x1], $0xE10, $0x38;
	[tilespmem:$0x1FC70] =	vst v63  }
0x64: {  	s9 =	rddreg [dreg:$0x1d]  }
0x65: {  	[spmem:s24] =	stream.linear.scatter [tilespmem:s18], [sflag:$0x1], $0xE10, $0x38;
	[tilespmem:$0x1FC70] =	vst v63  }
0x66: {  	s10 =	rddreg [dreg:$0x1e]  }
0x67: {  	[spmem:s9] =	stream.linear.scatter [tilespmem:s18], [sflag:$0x1], $0xE10, $0x38;
	[tilespmem:$0x1FC70] =	vst v63  }
0x68: {  	s11 =	rddreg [dreg:$0x1f]  }
0x69: {  	[spmem:s10] =	stream.linear.scatter [tilespmem:s18], [sflag:$0x1], $0xE10, $0x38;
	[tilespmem:$0x1FC70] =	vst v63  }
0x6a: {  	s12 =	sld [smem:$0x7FD]  }
0x6b: {  	[spmem:s11] =	stream.linear.scatter [tilespmem:s18], [sflag:$0x1], $0xE10, $0x38;
	[tilespmem:$0x1FC70] =	vst v63  }
0x6c: {  	_ = 	snop  }
0x6d: {  	[spmem:s12] =	stream.linear.scatter [tilespmem:s18], [sflag:$0x1], $0xE10, $0x38;
	[tilespmem:$0x1FC70] =	vst v63  }
0x6e: {  	_ =	swait.ge [sflag:s19], $0xE10  }
0x6f: {  	[sflag:s19] =	ssyncset.done $0x0  }
0x70: {  	[sflag:s19] =	ssyncadd.s32 $0xFFFFF1F0  }
0x71: {  	_ =	swait.ge [sflag:s19], $0xE10  }
0x72: {  	[sflag:s19] =	ssyncset.done $0x0  }
0x73: {  	[sflag:s19] =	ssyncadd.s32 $0xFFFFF1F0  }
0x74: {  	_ =	swait.ge [sflag:s19], $0xE10  }
0x75: {  	[sflag:s19] =	ssyncset.done $0x0  }
0x76: {  	[sflag:s19] =	ssyncadd.s32 $0xFFFFF1F0  }
0x77: {  	_ =	swait.ge [sflag:s19], $0xE10  }
0x78: {  	[sflag:s19] =	ssyncset.done $0x0  }
0x79: {  	[sflag:s19] =	ssyncadd.s32 $0xFFFFF1F0  }
0x7a: {  	_ =	swait.ge [sflag:s19], $0xE10  }
0x7b: {  	[sflag:s19] =	ssyncset.done $0x0  }
0x7c: {  	[sflag:s19] =	ssyncadd.s32 $0xFFFFF1F0  }
0x7d: {  	_ =	swait.ge [sflag:s19], $0xE10  }
0x7e: {  	[sflag:s19] =	ssyncset.done $0x0  }
0x7f: {  	[sflag:s19] =	ssyncadd.s32 $0xFFFFF1F0  }
0x80: {  	_ =	swait.ge [sflag:s19], $0xE10  }
0x81: {  	[sflag:s19] =	ssyncset.done $0x0  }
0x82: {  	[sflag:s19] =	ssyncadd.s32 $0xFFFFF1F0  }
0x83: {  	_ =	swait.ge [sflag:s19], $0xE10  }
0x84: {  	[sflag:s19] =	ssyncset.done $0x0  }
0x85: {  	[sflag:s19] =	ssyncadd.s32 $0xFFFFF1F0  }
0x86: {  	_ =	swait.ge [sflag:s19], $0xE10  }
0x87: {  	[sflag:s19] =	ssyncset.done $0x0  }
0x88: {  	[sflag:s19] =	ssyncadd.s32 $0xFFFFF1F0  }
0x89: {  	_ =	swait.ge [sflag:s19], $0xE10  }
0x8a: {  	[sflag:s19] =	ssyncset.done $0x0  }
0x8b: {  	[sflag:s19] =	ssyncadd.s32 $0xFFFFF1F0  }
0x8c: {  	_ =	swait.ge [sflag:s19], $0xE10  }
0x8d: {  	[sflag:s19] =	ssyncset.done $0x0  }
0x8e: {  	[sflag:s19] =	ssyncadd.s32 $0xFFFFF1F0  }
0x8f: {  	_ =	swait.ge [sflag:s19], $0xE10  }
0x90: {  	[sflag:s19] =	ssyncset.done $0x0  }
0x91: {  	[sflag:s19] =	ssyncadd.s32 $0xFFFFF1F0  }
0x92: {  	_ =	swait.ge [sflag:s19], $0xE10  }
0x93: {  	[sflag:s19] =	ssyncset.done $0x0  }
0x94: {  	[sflag:s19] =	ssyncadd.s32 $0xFFFFF1F0  }
0x95: {  	_ =	swait.ge [sflag:s19], $0xE10  }
0x96: {  	[sflag:s19] =	ssyncset.done $0x0  }
0x97: {  	[sflag:s19] =	ssyncadd.s32 $0xFFFFF1F0  }
0x98: {  	_ =	swait.ge [sflag:s19], $0xE10  }
0x99: {  	[sflag:s19] =	ssyncset.done $0x0  }
0x9a: {  	[sflag:s19] =	ssyncadd.s32 $0xFFFFF1F0  }
0x9b: {  	_ =	swait.ge [sflag:s19], $0xE10  }
0x9c: {  	[sflag:s19] =	ssyncset.done $0x0  }
0x9d: {  	[sflag:s19] =	ssyncadd.s32 $0xFFFFF1F0  }
0x9e: {  	_ =	swait.ge [sflag:s19], $0xE10  }
0x9f: {  	[sflag:s19] =	ssyncset.done $0x0  }
0xa0: {  	[sflag:s19] =	ssyncadd.s32 $0xFFFFF1F0  }
0xa1: {  	_ =	swait.ge [sflag:s19], $0xE10  }
0xa2: {  	[sflag:s19] =	ssyncset.done $0x0  }
0xa3: {  	[sflag:s19] =	ssyncadd.s32 $0xFFFFF1F0  }
0xa4: {  	_ =	swait.ge [sflag:s19], $0xE10  }
0xa5: {  	[sflag:s19] =	ssyncset.done $0x0  }
0xa6: {  	[sflag:s19] =	ssyncadd.s32 $0xFFFFF1F0  }
0xa7: {  	_ =	swait.ge [sflag:s19], $0xE10  }
0xa8: {  	[sflag:s19] =	ssyncset.done $0x0  }
0xa9: {  	[sflag:s19] =	ssyncadd.s32 $0xFFFFF1F0  }
0xaa: {  	_ =	swait.ge [sflag:s19], $0xE10  }
0xab: {  	[sflag:s19] =	ssyncset.done $0x0  }
0xac: {  	[sflag:s19] =	ssyncadd.s32 $0xFFFFF1F0  }
0xad: {  	_ =	swait.ge [sflag:s19], $0xE10  }
0xae: {  	[sflag:s19] =	ssyncset.done $0x0  }
0xaf: {  	[sflag:s19] =	ssyncadd.s32 $0xFFFFF1F0  }
0xb0: {  	_ =	swait.ge [sflag:s19], $0xE10  }
0xb1: {  	[sflag:s19] =	ssyncset.done $0x0  }
0xb2: {  	[sflag:s19] =	ssyncadd.s32 $0xFFFFF1F0  }
0xb3: {  	_ =	swait.ge [sflag:s19], $0xE10  }
0xb4: {  	[sflag:s19] =	ssyncset.done $0x0  }
0xb5: {  	[sflag:s19] =	ssyncadd.s32 $0xFFFFF1F0  }
0xb6: {  	_ =	swait.ge [sflag:s19], $0xE10  }
0xb7: {  	[sflag:s19] =	ssyncset.done $0x0  }
0xb8: {  	[sflag:s19] =	ssyncadd.s32 $0xFFFFF1F0  }
0xb9: {  	[bflag:$0x0] =	sbarrier.arrive $0xFFFF  }
0xba: {  	s10 =	simm.s32 $0x4E200;
	s13 =	rddreg [dreg:$0x4]  }
0xbb: {  	[tilespmem:s22], [sflag:$0x1] =	stream.strided.gather [hbm4b:s13+s20], $0xA0, s10, s20, $0x38;
	[tilespmem:$0x1FC70] =	vst v63  }
0xbc: {  	s3 =	simm.s32 $0x0;
	s9 =	rddreg [dreg:$0x5]  }
0xbd: {  	[tilespmem:s23], [sflag:$0x4] =	stream.linear.gather [hbm4b:s9+s3], $0x500, $0x38;
	[tilespmem:$0x1FC70] =	vst v63  }
0xbe: {  	_ =	swait.ge [sflag:s19], $0xA0  }
0xbf: {  	[sflag:s19] =	ssyncset.done $0x0  }
0xc0: {  	s15 =	simm.s32 $0x4;
	[sflag:s19] =	ssyncadd.s32 $0xFFFFFF60  }
0xc1: {  	_ =	swait.ge [sflag:s15], $0x500  }
0xc2: {  	[sflag:s15] =	ssyncset.done $0x0  }
0xc3: {  	[sflag:s15] =	ssyncadd.s32 $0xFFFFFB00  }
0xc4: {  	[tilespmem:s28], [sflag:$0x6] =	stream.indirect.gather [hbm4b:s5+s20], $0x90, s26, s20, $0xb8;
	[tilespmem:$0x1FC70] =	vst v63  }
0xc5: {  	_ = 	snop  }
0xc6: {  	[tilespmem:s21], [sflag:$0x8] =	stream.indirect.gather [hbm4b:s6+s20], $0x10, s22, s20, $0xb8;
	[tilespmem:$0x1FC70] =	vst v63  }
0xc7: {  	s11 =	simm.s32 $0x16030;
	s16 =	rddreg [dreg:$0x6]  }
0xc8: {  	[tilespmem:s11], [sflag:$0x2] =	stream.strided.gather [hbm4b:s16+s20], $0xA0, s10, s20, $0x38;
	[tilespmem:$0x1FC70] =	vst v63  }
0xc9: {  	s24 =	simm.s32 $0x16670;
	s17 =	rddreg [dreg:$0x7]  }
0xca: {  	[tilespmem:s24], [sflag:$0x5] =	stream.linear.gather [hbm4b:s17+s3], $0x500, $0x38;
	[tilespmem:$0x1FC70] =	vst v63  }
.LBB2_4:
0xcb: {  	s11 =	smul.u32 $0xAB, s3;
	_ =	sdelay $0x1  }
0xcc: {  	s9 =	sadd.s32 $0xAB, s11  }
0xcd: {  	s9 =	sshrl.u32 s9, $0x9  }
0xce: {  	s9 =	sand.u32 $0x7F, s9  }
0xcf: {  	s10 =	smul.u32 $0x3, s9  }
0xd0: {  	s9 =	sadd.s32 $0x1, s3  }
0xd1: {  	s12 =	ssub.s32 s9, s10  }
0xd2: {  	s13 =	sand.u32 $0x1, s9;
	s10 =	sand.u32 $0xFF, s12  }
0xd3: {  	p0 =	seq.s32 s3, $0x7C;
	s15 =	sor.u32 s10, s13  }
0xd4: {  	p1 =	sne.s32 @!p0 s15, $0x0  }
0xd5: {  	p1 =	por p1, p0  }
0xd6: {  	s15 =	simm.s32 @!p1 $0x1  }
0xd7: {  	_ =	swait.ge @!p1 [sflag:s15], $0xA0  }
0xd8: {  	[sflag:s15] =	ssyncset.done @!p1 $0x0  }
0xd9: {  	[sflag:s15] =	ssyncadd.s32 @!p1 $0xFFFFFF60;
	s15 =	simm.s32 @!p1 $0x4  }
0xda: {  	_ =	swait.ge @!p1 [sflag:s15], $0x500  }
0xdb: {  	s16 =	simm.s32 @!p1 $0x15FE0;
	[sflag:s15] =	ssyncset.done @!p1 $0x0  }
0xdc: {  	s17 =	simm.s32 @!p1 $0x17570;
	[sflag:s15] =	ssyncadd.s32 @!p1 $0xFFFFFB00;
	s15 =	simm.s32 @!p1 $0x50  }
0xdd: {  	[tilespmem:s17], [sflag:$0x6] =	stream.indirect.gather @!p1 [hbm4b:s5+s15], $0x90, s16, s15, $0xb8;
	[tilespmem:$0x1FC70] =	vst v63  }
0xde: {  	s16 =	simm.s32 @!p1 $0x15F90;
	s17 =	simm.s32 @!p1 $0x16B70  }
0xdf: {  	[tilespmem:s17], [sflag:$0x8] =	stream.indirect.gather @!p1 [hbm4b:s6+s15], $0x10, s16, s15, $0xb8;
	[tilespmem:$0x1FC70] =	vst v63  }
0xe0: {  	p2 =	sne.s32 s10, $0x0;
	p1 =	seq.s32 s13, $0x1  }
0xe1: {  	p2 =	por p2, !p1  }
.Ltmp1:
0xe2: {  	_ = 	snop;
	(pc) =	sbr.rel @p2 .LBB2_6-.Ltmp1, $1  }
0xe3: {  	_ =	sdelay $0x3  }
0xe4: {  	_ =	swait.ge [sflag:s19], $0xA0  }
0xe5: {  	[sflag:s19] =	ssyncset.done $0x0  }
0xe6: {  	[sflag:s19] =	ssyncadd.s32 $0xFFFFFF60  }
0xe7: {  	_ =	swait.ge [sflag:s29], $0x500  }
.Ltmp2:
0xe8: {  	[sflag:s29] =	ssyncset.done $0x0;
	(pc) =	sbr.rel .LBB2_7-.Ltmp2, $4  }
0xe9: {  	[sflag:s29] =	ssyncadd.s32 $0xFFFFFB00  }
0xea: {  	[tilespmem:s30], [sflag:$0x7] =	stream.indirect.gather [hbm4b:s5+s20], $0x90, s26, s20, $0xb8;
	[tilespmem:$0x1FC70] =	vst v63  }
0xeb: {  	p5 =	por $0x0, $0x0  }
0xec: {  	[tilespmem:s31], [sflag:$0x9] =	stream.indirect.gather [hbm4b:s6+s20], $0x10, s22, s20, $0xb8;
	[tilespmem:$0x1FC70] =	vst v63  }
.LBB2_6:
0xed: {  	p2 =	sne.s32 s13, $0x0  }
0xee: {  	s12 =	sand.u32 @!p2 $0xFF, s12  }
0xef: {  	p3 =	sne.s32 @!p2 s12, $0x1  }
0xf0: {  	p4 =	por p3, p2  }
0xf1: {  	s13 =	simm.s32 @!p4 $0x2  }
0xf2: {  	_ =	swait.ge @!p4 [sflag:s13], $0xA0  }
0xf3: {  	[sflag:s13] =	ssyncset.done @!p4 $0x0  }
0xf4: {  	[sflag:s13] =	ssyncadd.s32 @!p4 $0xFFFFFF60;
	s13 =	simm.s32 @!p4 $0x4  }
0xf5: {  	_ =	swait.ge @!p4 [sflag:s13], $0x500  }
0xf6: {  	s15 =	simm.s32 @!p4 $0x16080;
	[sflag:s13] =	ssyncset.done @!p4 $0x0  }
0xf7: {  	s16 =	simm.s32 @!p4 $0x17570;
	[sflag:s13] =	ssyncadd.s32 @!p4 $0xFFFFFB00;
	s13 =	simm.s32 @!p4 $0x50  }
0xf8: {  	[tilespmem:s16], [sflag:$0x6] =	stream.indirect.gather @!p4 [hbm4b:s5+s13], $0x90, s15, s13, $0xb8;
	[tilespmem:$0x1FC70] =	vst v63  }
0xf9: {  	s15 =	simm.s32 @!p4 $0x16030;
	s16 =	simm.s32 @!p4 $0x16B70  }
0xfa: {  	[tilespmem:s16], [sflag:$0x8] =	stream.indirect.gather @!p4 [hbm4b:s6+s13], $0x10, s15, s13, $0xb8;
	[tilespmem:$0x1FC70] =	vst v63  }
0xfb: {  	p5 =	seq.s32 s10, $0x1;
	p3 =	por !p3, p2;
	p4 =	por @!p4 $0x1, $0x1  }
0xfc: {  	p4 =	por @!p3 p5, p5  }
0xfd: {  	p5 =	por @!p2 p4, p4  }
0xfe: {  	p6 =	por !p5, !p1  }
0xff: {  	p3 =	por !p6, !p6  }
0x100: {  	s13 =	simm.s32 @p3 $0x2  }
0x101: {  	_ =	swait.ge @p3 [sflag:s13], $0xA0  }
0x102: {  	[sflag:s13] =	ssyncset.done @p3 $0x0  }
0x103: {  	[sflag:s13] =	ssyncadd.s32 @p3 $0xFFFFFF60;
	s13 =	simm.s32 @p3 $0x5  }
0x104: {  	_ =	swait.ge @p3 [sflag:s13], $0x500  }
0x105: {  	s15 =	simm.s32 @p3 $0x16080;
	[sflag:s13] =	ssyncset.done @p3 $0x0  }
0x106: {  	s16 =	simm.s32 @p3 $0x1A270;
	[sflag:s13] =	ssyncadd.s32 @p3 $0xFFFFFB00;
	s13 =	simm.s32 @p3 $0x50  }
0x107: {  	[tilespmem:s16], [sflag:$0x7] =	stream.indirect.gather @p3 [hbm4b:s5+s13], $0x90, s15, s13, $0xb8;
	[tilespmem:$0x1FC70] =	vst v63  }
0x108: {  	s15 =	simm.s32 @p3 $0x16030;
	s16 =	simm.s32 @p3 $0x17070  }
0x109: {  	[tilespmem:s16], [sflag:$0x9] =	stream.indirect.gather @p3 [hbm4b:s6+s13], $0x10, s15, s13, $0xb8;
	[tilespmem:$0x1FC70] =	vst v63  }
0x10a: {  	p3 =	sne.s32 @!p2 s12, $0x2  }
0x10b: {  	p4 =	por p3, p2  }
0x10c: {  	s12 =	simm.s32 @!p4 $0x3  }
0x10d: {  	_ =	swait.ge @!p4 [sflag:s12], $0xA0  }
0x10e: {  	[sflag:s12] =	ssyncset.done @!p4 $0x0  }
0x10f: {  	[sflag:s12] =	ssyncadd.s32 @!p4 $0xFFFFFF60;
	s12 =	simm.s32 @!p4 $0x4  }
0x110: {  	_ =	swait.ge @!p4 [sflag:s12], $0x500  }
0x111: {  	s13 =	simm.s32 @!p4 $0x16120;
	[sflag:s12] =	ssyncset.done @!p4 $0x0  }
0x112: {  	s15 =	simm.s32 @!p4 $0x17570;
	[sflag:s12] =	ssyncadd.s32 @!p4 $0xFFFFFB00;
	s12 =	simm.s32 @!p4 $0x50  }
0x113: {  	[tilespmem:s15], [sflag:$0x6] =	stream.indirect.gather @!p4 [hbm4b:s5+s12], $0x90, s13, s12, $0xb8;
	[tilespmem:$0x1FC70] =	vst v63  }
0x114: {  	s13 =	simm.s32 @!p4 $0x160D0;
	s15 =	simm.s32 @!p4 $0x16B70  }
0x115: {  	[tilespmem:s15], [sflag:$0x8] =	stream.indirect.gather @!p4 [hbm4b:s6+s12], $0x10, s13, s12, $0xb8;
	[tilespmem:$0x1FC70] =	vst v63  }
0x116: {  	p5 =	seq.s32 s10, $0x2;
	p3 =	por !p3, p2;
	p4 =	por @!p4 $0x1, $0x1  }
0x117: {  	p4 =	por @!p3 p5, p5  }
0x118: {  	p5 =	por @!p2 p4, p4  }
.LBB2_7:
0x119: {  	p1 =	por !p5, !p1  }
0x11a: {  	p1 =	por !p1, !p1  }
0x11b: {  	p0 =	por !p1, p0  }
0x11c: {  	s12 =	sshrl.u32 s11, $0x9;
	s10 =	simm.s32 @!p0 $0x3  }
0x11d: {  	s12 =	sand.u32 $0x7F, s12;
	_ =	swait.ge @!p0 [sflag:s10], $0xA0  }
0x11e: {  	s12 =	smul.u32 $0x3, s12;
	[sflag:s10] =	ssyncset.done @!p0 $0x0  }
0x11f: {  	s13 =	simm.s32 @!p0 $0x5;
	s15 =	simm.s32 @!p0 $0x16120;
	[sflag:s10] =	ssyncadd.s32 @!p0 $0xFFFFFF60  }
0x120: {  	s16 =	simm.s32 @!p0 $0x1A270;
	s17 =	simm.s32 @!p0 $0x17070;
	_ =	swait.ge @!p0 [sflag:s13], $0x500  }
0x121: {  	s12 =	ssub.s32 s3, s12;
	s10 =	sand.u32 $0x1, s3;
	[sflag:s13] =	ssyncset.done @!p0 $0x0  }
0x122: {  	p2 =	seq.s32 s10, $0x1;
	[sflag:s13] =	ssyncadd.s32 @!p0 $0xFFFFFB00;
	s13 =	simm.s32 @!p0 $0x50  }
0x123: {  	[tilespmem:s16], [sflag:$0x7] =	stream.indirect.gather @!p0 [hbm4b:s5+s13], $0x90, s15, s13, $0xb8;
	[tilespmem:$0x1FC70] =	vst v63  }
0x124: {  	s24 =	sand.u32 $0xFF, s12;
	s16 =	simm.s32 @!p0 $0x160D0;
	s15 =	simm.s32 @!p2 $0x0  }
0x125: {  	[tilespmem:s17], [sflag:$0x9] =	stream.indirect.gather @!p0 [hbm4b:s6+s13], $0x10, s16, s13, $0xb8;
	[tilespmem:$0x1FC70] =	vst v63  }
0x126: {  	s15 =	simm.s32 @p2 $0x1;
	p0 =	sne.s32 s24, $0x0  }
0x127: {  	s16 =	sor.u32 s24, s10;
	[smem:$0x7FB] =	sst s15;
	s15 =	simm.s32 @!p0 $0x0  }
0x128: {  	p1 =	sne.s32 s16, $0x0;
	s15 =	simm.s32 @p0 $0x1;
	p0 =	por p0, !p2  }
0x129: {  	s13 =	simm.s32 @!p1 $0x6;
	p4 =	sne.s32 @p0 s10, $0x0  }
0x12a: {  	_ =	swait.ge @!p1 [sflag:s13], $0x2D00;
	p2 =	por p4, !p0  }
0x12b: {  	[smem:$0x7FA] =	sst s15;
	s15 =	simm.s32 @!p2 $0x0  }
0x12c: {  	[sflag:s13] =	ssyncset.done @!p1 $0x0;
	s15 =	simm.s32 @p2 $0x1  }
0x12d: {  	[sflag:s13] =	ssyncadd.s32 @!p1 $0xFFFFD300;
	s13 =	simm.s32 @!p1 $0x8;
	[smem:$0x7FC] =	sst s15  }
0x12e: {  	s15 =	sand.u32 @!p2 $0xFF, s12;
	_ =	swait.ge @!p1 [sflag:s13], $0x500  }
0x12f: {  	p3 =	sne.s32 @!p2 s15, $0x1;
	[sflag:s13] =	ssyncset.done @!p1 $0x0  }
0x130: {  	[sflag:s13] =	ssyncadd.s32 @!p1 $0xFFFFFB00;
	p1 =	por @p0 p3, p4  }
0x131: {  	p1 =	por p1, !p0  }
0x132: {  	s13 =	simm.s32 @!p1 $0x6  }
0x133: {  	s12 =	sand.u32 @p0 $0xFF, s12;
	_ =	swait.ge @!p1 [sflag:s13], $0x2D00  }
0x134: {  	p2 =	seq.s32 @p0 s12, $0x1;
	p3 =	por @p0 !p3, p4;
	s17 =	sld [smem:$0x7FB]  }
0x135: {  	p6 =	por !p3, !p0;
	p3 =	por p2, p2;
	p5 =	por @!p1 $0x1, $0x1  }
0x136: {  	p3 =	por @!p6 p5, p5;
	p6 =	por !p4, !p0  }
0x137: {  	p3 =	por @!p6 p2, p2;
	[sflag:s13] =	ssyncset.done @!p1 $0x0;
	p2 =	seq.s32 s17, $0x1  }
0x138: {  	[sflag:s13] =	ssyncadd.s32 @!p1 $0xFFFFD300;
	s13 =	simm.s32 @!p1 $0x8;
	p2 =	por @p0 !p3, !p2  }
0x139: {  	_ =	swait.ge @!p1 [sflag:s13], $0x500;
	p2 =	por @p0 !p2, !p2  }
0x13a: {  	[sflag:s13] =	ssyncset.done @!p1 $0x0;
	p2 =	por !p2, !p0  }
0x13b: {  	[sflag:s13] =	ssyncadd.s32 @!p1 $0xFFFFFB00;
	s13 =	simm.s32 @!p2 $0x7  }
0x13c: {  	_ =	swait.ge @!p2 [sflag:s13], $0x2D00  }
0x13d: {  	s24 =	sld [smem:$0x7FC];
	_ =	sdelay $0x2  }
0x13e: {  	p1 =	seq.s32 s24, $0x1  }
0x13f: {  	p1 =	sne.s32 @!p1 s15, $0x2  }
0x140: {  	p1 =	por @p0 p4, p1  }
0x141: {  	p1 =	por !p0, !p1  }
.Ltmp3:
0x142: {  	[sflag:s13] =	ssyncset.done @!p2 $0x0;
	(pc) =	sbr.rel @!p1 .LBB2_8-.Ltmp3, $4  }
0x143: {  	[sflag:s13] =	ssyncadd.s32 @!p2 $0xFFFFD300;
	s13 =	simm.s32 @!p2 $0x9  }
0x144: {  	_ =	swait.ge @!p2 [sflag:s13], $0x500  }
0x145: {  	[sflag:s13] =	ssyncset.done @!p2 $0x0  }
0x146: {  	[sflag:s13] =	ssyncadd.s32 @!p2 $0xFFFFFB00;
	p2 =	seq.s32 @p0 s12, $0x2  }
0x147: {  	s12 =	simm.s32 $0x7  }
0x148: {  	s12 =	simm.s32 @p0 $0x6  }
0x149: {  	_ =	swait.ge [sflag:s12], $0x2D00  }
.Ltmp4:
0x14a: {  	s13 =	simm.s32 $0x9;
	[sflag:s12] =	ssyncset.done $0x0;
	(pc) =	sbr.rel .LBB2_10-.Ltmp4, $4  }
0x14b: {  	s13 =	simm.s32 @p0 $0x8;
	[sflag:s12] =	ssyncadd.s32 $0xFFFFD300  }
0x14c: {  	_ =	swait.ge [sflag:s13], $0x500  }
0x14d: {  	p1 =	por $0x0, $0x0;
	[sflag:s13] =	ssyncset.done $0x0  }
0x14e: {  	p2 =	por @!p0 p1, p1;
	p3 =	por @!p0 p1, p1;
	[sflag:s13] =	ssyncadd.s32 $0xFFFFFB00  }
.LBB2_8:
0x14f: {  	p2 =	por @!p6 p2, p2;
	p3 =	por @!p6 p3, p3  }
.LBB2_10:
0x150: {  	s11 =	sadd.s32 $0x156, s11  }
0x151: {  	s11 =	sshrl.u32 s11, $0x9  }
0x152: {  	s13 =	sld [smem:$0x7FB];
	s11 =	sand.u32 $0x7F, s11  }
0x153: {  	s12 =	smul.u32 $0x3, s11  }
0x154: {  	s11 =	sadd.s32 $0x2, s3  }
0x155: {  	p0 =	seq.s32 s13, $0x1;
	s12 =	ssub.s32 s11, s12  }
0x156: {  	s13 =	simm.s32 @!p2 $0x0;
	p0 =	por !p2, !p0;
	s24 =	sand.u32 $0xFF, s12  }
0x157: {  	s13 =	simm.s32 @p2 $0x1;
	p6 =	por !p0, !p0;
	p0 =	seq.s32 s24, $0x0  }
0x158: {  	[smem:$0x7F9] =	sst s13;
	s13 =	sand.u32 @!p0 $0xFF, s12  }
0x159: {  	p4 =	seq.s32 @!p0 s13, $0x1  }
0x15a: {  	p1 =	por p0, p4  }
0x15b: {  	s15 =	simm.s32 @p6 $0x7;
	p2 =	seq.s32 @!p1 s3, $0x0  }
0x15c: {  	_ =	swait.ge @p6 [sflag:s15], $0x2D00;
	p2 =	por p1, !p2  }
.Ltmp5:
0x15d: {  	[sflag:s15] =	ssyncset.done @p6 $0x0;
	(pc) =	sbr.rel @p2 .LBB2_12-.Ltmp5, $4  }
0x15e: {  	[sflag:s15] =	ssyncadd.s32 @p6 $0xFFFFD300;
	s15 =	simm.s32 @p6 $0x9  }
0x15f: {  	_ =	swait.ge @p6 [sflag:s15], $0x500  }
0x160: {  	[sflag:s15] =	ssyncset.done @p6 $0x0  }
0x161: {  	[sflag:s15] =	ssyncadd.s32 @p6 $0xFFFFFB00  }
.Ltmp6:
0x162: {  	(pc) =	sbr.rel .LBB2_13-.Ltmp6, $2  }
0x163: {  	s13 =	sld [smem:$0x7FA];
	_ =	sdelay $0x2  }
0x164: {  	p6 =	por @!p0 $0x0, $0x0;
	p5 =	por @!p0 $0x1, $0x1;
	p1 =	seq.s32 s13, $0x1  }
.LBB2_12:
0x165: {  	_ =	swait.ge [sflag:s0], $0x2D00  }
0x166: {  	p2 =	sne.s32 @!p0 s13, $0x1;
	p5 =	por $0x0, $0x0;
	s24 =	sld [smem:$0x7FA]  }
0x167: {  	p6 =	por $0x0, $0x0;
	p5 =	por @!p0 p2, p2  }
0x168: {  	p6 =	por @!p0 p4, p4;
	[sflag:s0] =	ssyncset.done $0x0;
	p5 =	por @!p1 p2, p2  }
0x169: {  	p6 =	por @!p1 p4, p4;
	[sflag:s0] =	ssyncadd.s32 $0xFFFFD300;
	p1 =	seq.s32 s24, $0x1  }
.LBB2_13:
0x16a: {  	s13 =	smul.u32 $0x50, s10;
	_ =	sdelay $0x1  }
0x16b: {  	s16 =	simm.s32 $0x0;
	v3 =	vmov s13;
	s13 =	simm.s32 $0x0  }
.LBB2_14:
0x16c: {  	s15 =	sshll.u32 s16, $0x4  }
0x16d: {  	v22 =	vor.u32 s15, v1  }
0x16e: {  	v14 =	vadd.s32 v3, v22  }
0x16f: {  	v4 =	vshll.u32 v14, $0x4  }
0x170: {  	v6 =	vor.u32 $0x1, v4  }
0x171: {  	v7 =	vor.u32 $0x2, v4  }
0x172: {  	v8 =	vor.u32 $0x3, v4  }
0x173: {  	v9 =	vor.u32 $0x4, v4  }
0x174: {  	v10 =	vor.u32 $0x5, v4;
	v5 =	vld.idx.msk [tilespmem:v4+s23+$0x0], $0xffff  }
0x175: {  	v11 =	vor.u32 $0x6, v4;
	v6 =	vld.idx.msk [tilespmem:v6+s23+$0x0], $0xffff  }
0x176: {  	v12 =	vor.u32 $0x7, v4;
	v7 =	vld.idx.msk [tilespmem:v7+s23+$0x0], $0xffff  }
0x177: {  	v13 =	vor.u32 $0x8, v4;
	v8 =	vld.idx.msk [tilespmem:v8+s23+$0x0], $0xffff  }
0x178: {  	v15 =	vor.u32 $0x9, v4;
	v9 =	vld.idx.msk [tilespmem:v9+s23+$0x0], $0xffff  }
0x179: {  	v16 =	vor.u32 $0xA, v4;
	v10 =	vld.idx.msk [tilespmem:v10+s23+$0x0], $0xffff  }
0x17a: {  	v17 =	vor.u32 $0xB, v4;
	v11 =	vld.idx.msk [tilespmem:v11+s23+$0x0], $0xffff  }
0x17b: {  	v18 =	vor.u32 $0xC, v4;
	v12 =	vld.idx.msk [tilespmem:v12+s23+$0x0], $0xffff  }
0x17c: {  	v19 =	vor.u32 $0xD, v4;
	v13 =	vld.idx.msk [tilespmem:v13+s23+$0x0], $0xffff  }
0x17d: {  	v14 =	vmul.u32 $0x90, v14;
	v20 =	vor.u32 $0xE, v4;
	v15 =	vld.idx.msk [tilespmem:v15+s23+$0x0], $0xffff  }
0x17e: {  	v30 =	vmov s13;
	v21 =	vor.u32 $0xF, v4;
	v16 =	vld.idx.msk [tilespmem:v16+s23+$0x0], $0xffff  }
0x17f: {  	v30 =	vor.u32 $0x8, v30;
	v23 =	vadd.s32 s13, v14;
	v17 =	vld.idx.msk [tilespmem:v17+s23+$0x0], $0xffff  }
0x180: {  	v32 =	vadd.s32 v14, v30;
	v18 =	vld.idx.msk [tilespmem:v18+s23+$0x0], $0xffff  }
0x181: {  	v24 =	vor.u32 $0x7, v23;
	v19 =	vld.idx.msk [tilespmem:v19+s23+$0x0], $0xffff  }
0x182: {  	v25 =	vor.u32 $0x6, v23;
	v20 =	vld.idx.msk [tilespmem:v20+s23+$0x0], $0xffff  }
0x183: {  	v26 =	vor.u32 $0x5, v23;
	v27 =	vor.u32 $0x4, v23;
	v21 =	vld.idx.msk [tilespmem:v21+s23+$0x0], $0xffff  }
0x184: {  	v28 =	vor.u32 $0x3, v23;
	v29 =	vor.u32 $0x2, v23;
	v31 =	vor.u32 $0x1, v23;
	v23 =	vld.idx.msk [tilespmem:v23+s28+$0x0], $0xffff  }
0x185: {  	v38 =	vld.idx.msk [tilespmem:v32+s28+$0x0], $0xffff  }
0x186: {  	v24 =	vld.idx.msk [tilespmem:v24+s28+$0x0], $0xffff  }
0x187: {  	v25 =	vld.idx.msk [tilespmem:v25+s28+$0x0], $0xffff  }
0x188: {  	v35 =	vor.u32 $0x5, v32;
	v26 =	vld.idx.msk [tilespmem:v26+s28+$0x0], $0xffff  }
0x189: {  	v33 =	vld.idx.msk [tilespmem:v28+s28+$0x0], $0xffff;
	v28 =	vor.u32 $0x7, v32  }
0x18a: {  	v37 =	vor.u32 $0x6, v32;
	v27 =	vld.idx.msk [tilespmem:v27+s28+$0x0], $0xffff  }
0x18b: {  	v39 =	vor.u32 $0x4, v32;
	v29 =	vld.idx.msk [tilespmem:v29+s28+$0x0], $0xffff  }
0x18c: {  	v34 =	vor.u32 $0x2, v32;
	v31 =	vld.idx.msk [tilespmem:v31+s28+$0x0], $0xffff  }
0x18d: {  	v36 =	vor.u32 $0x1, v32;
	v35 =	vld.idx.msk [tilespmem:v35+s28+$0x0], $0xffff  }
0x18e: {  	v40 =	vld.idx.msk [tilespmem:v28+s28+$0x0], $0xffff;
	v28 =	vor.u32 $0x3, v32  }
0x18f: {  	v37 =	vld.idx.msk [tilespmem:v37+s28+$0x0], $0xffff  }
0x190: {  	v39 =	vld.idx.msk [tilespmem:v39+s28+$0x0], $0xffff;
	v49 =	vmul.f32 v23, v5  }
0x191: {  	v50 =	vmul.f32 v38, v13;
	v32 =	vld.idx.msk [tilespmem:v34+s28+$0x0], $0xffff;
	v58 =	vmul.f32 v24, v12  }
0x192: {  	v47 =	vor.u32 s13, v4;
	v34 =	vld.idx.msk [tilespmem:v36+s28+$0x0], $0xffff;
	v41 =	vmul.f32 v25, v11;
	v43 =	vmul.f32 v26, v10  }
0x193: {  	v42 =	vadd.s32 $0x80, v14;
	v44 =	vmul.f32 v27, v9;
	v45 =	vmul.f32 v29, v7;
	v48 =	vld.idx.msk [tilespmem:v28+s28+$0x0], $0xffff  }
0x194: {  	v46 =	vmul.f32 v33, v8;
	v61 =	vmul.f32 v35, v19  }
0x195: {  	v52 =	vmul.f32 v37, v20;
	v62 =	vmul.f32 v39, v18  }
0x196: {  	v36 =	vadd.f32 v58, v41;
	v43 =	vadd.f32 v43, v44;
	v28 =	vmul.f32 v31, v6  }
0x197: {  	v47 =	vld.idx.msk [tilespmem:v47+s21+$0x0], $0xffff;
	v45 =	vadd.f32 v46, v45;
	v59 =	vmul.f32 v40, v21;
	v60 =	vmul.f32 v34, v15  }
0x198: {  	v42 =	vld.idx.msk [tilespmem:v42+s28+$0x0], $0xffff;
	v46 =	vadd.f32 v61, v62;
	v51 =	vmul.f32 v32, v16;
	v53 =	vmul.f32 v48, v17  }
0x199: {  	v28 =	vadd.f32 v28, v49;
	v44 =	vadd.f32 v60, v50  }
0x19a: {  	v41 =	vadd.f32 v59, v52;
	v63 =	vadd.f32 v53, v51  }
0x19b: {  	v36 =	vadd.f32 v36, v43;
	v28 =	vadd.f32 v45, v28  }
0x19c: {  	v41 =	vadd.f32 v41, v46;
	v46 =	vadd.f32 v63, v44  }
0x19d: {  	v42 =	vadd.f32 v42, v47  }
0x19e: {  	v28 =	vadd.f32 v36, v28;
	v49 =	vadd.f32 v41, v46  }
0x19f: {  	v50 =	vmul.f32 $2.000000030e-01, v42  }
0x1a0: {  	vm0 =	vge.f32 v42, $0.0e+00;
	v28 =	vadd.f32 v49, v28  }
0x1a1: {  	v51 =	vsel vm0, v42, v50  }
0x1a2: {  	v28 =	vadd.f32 v28, v51;
	_ =	sdelay $0x1  }
0x1a3: {  	v28 =	vmul.f32 $1.442695020e+00, v28;
	_ =	sdelay $0x1  }
0x1a4: {  	(erf) = vpow2.f32 v28;
	_ =	sdelay $0x4  }
0x1a5: {  	v22 =	vmul.u32 $0x90, v22;
	_ =	sdelay $0x1  }
0x1a6: {  	v52 =	vadd.s32 s13, v22  }
0x1a7: {  	v53 =	vor.u32 $0x1, v52  }
0x1a8: {  	v54 =	vor.u32 $0x2, v52;
	v28 =	vpop (erf)  }
0x1a9: {  	v55 =	vor.u32 $0x3, v52;
	v23 =	vmul.f32 v28, v23  }
0x1aa: {  	v56 =	vor.u32 $0x4, v52;
	v31 =	vmul.f32 v28, v31  }
0x1ab: {  	v57 =	vor.u32 $0x5, v52;
	v29 =	vmul.f32 v28, v29;
	[tilespmem:v52+s18+$0x0] =	vst.idx.msk $0xffff, v23  }
0x1ac: {  	v58 =	vor.u32 $0x6, v52;
	v33 =	vmul.f32 v28, v33;
	[tilespmem:v53+s18+$0x0] =	vst.idx.msk $0xffff, v31  }
0x1ad: {  	v59 =	vadd.s32 v22, v30;
	v27 =	vmul.f32 v28, v27;
	v31 =	vor.u32 $0x7, v52;
	[tilespmem:v54+s18+$0x0] =	vst.idx.msk $0xffff, v29  }
0x1ae: {  	v62 =	vor.u32 $0x1, v59;
	v38 =	vmul.f32 v28, v38;
	v26 =	vmul.f32 v28, v26;
	[tilespmem:v55+s18+$0x0] =	vst.idx.msk $0xffff, v33  }
0x1af: {  	v36 =	vor.u32 $0x5, v59;
	v60 =	vmul.f32 v28, v34;
	v61 =	vmul.f32 v28, v25;
	[tilespmem:v56+s18+$0x0] =	vst.idx.msk $0xffff, v27  }
0x1b0: {  	v25 =	vadd.s32 $0x80, v22;
	v30 =	vmul.f32 v28, v32;
	v63 =	vmul.f32 v28, v24;
	[tilespmem:v57+s18+$0x0] =	vst.idx.msk $0xffff, v26  }
0x1b1: {  	v34 =	vor.u32 $0x2, v59;
	v32 =	vmul.f32 v28, v37;
	v37 =	vor.u32 $0x6, v59;
	[tilespmem:v58+s18+$0x0] =	vst.idx.msk $0xffff, v61  }
0x1b2: {  	v24 =	vadd.s32 s13, v25;
	v23 =	vadd.s32 $0x81, v14;
	v33 =	vor.u32 $0x3, v59;
	[tilespmem:v31+s18+$0x0] =	vst.idx.msk $0xffff, v63  }
0x1b3: {  	v29 =	vmul.f32 v28, v48;
	v26 =	vmul.f32 v28, v35;
	v35 =	vor.u32 $0x4, v59;
	[tilespmem:v59+s18+$0x0] =	vst.idx.msk $0xffff, v38  }
0x1b4: {  	s17 =	simm.s32 $0x1;
	s24 =	simm.s32 $0x0;
	s15 =	simm.s32 $0x0;
	v27 =	vmul.f32 v28, v39;
	v31 =	vmul.f32 v28, v40;
	v38 =	vor.u32 $0x7, v59;
	[tilespmem:v62+s18+$0x0] =	vst.idx.msk $0xffff, v60  }
.LBB2_15:
0x1b5: {  	p0 =	sne.s32 s17, $0x7  }
0x1b6: {  	v39 =	vadd.s32 s17, v25;
	v40 =	vadd.s32 s15, v23;
	[tilespmem:v34+s18+$0x0] =	vst.idx.msk $0xffff, v30;
	s24 =	sadd.s32 $0x10, s24;
	s15 =	smov.u32 s17;
	s17 =	sadd.s32 $0x1, s17  }
0x1b7: {  	v30 =	vadd.s32 s24, v14;
	[tilespmem:v33+s18+$0x0] =	vst.idx.msk $0xffff, v29  }
0x1b8: {  	v29 =	vor.u32 $0x7, v30;
	[tilespmem:v35+s18+$0x0] =	vst.idx.msk $0xffff, v27  }
0x1b9: {  	v27 =	vor.u32 $0x6, v30;
	[tilespmem:v36+s18+$0x0] =	vst.idx.msk $0xffff, v26  }
0x1ba: {  	v33 =	vor.u32 $0x5, v30;
	[tilespmem:v37+s18+$0x0] =	vst.idx.msk $0xffff, v32  }
0x1bb: {  	v32 =	vor.u32 $0x4, v30;
	[tilespmem:v38+s18+$0x0] =	vst.idx.msk $0xffff, v31  }
0x1bc: {  	v31 =	vor.u32 $0x3, v30;
	[tilespmem:v24+s18+$0x0] =	vst.idx.msk $0xffff, v28;
	v24 =	vmov v39  }
0x1bd: {  	v28 =	vor.u32 $0x2, v30;
	v26 =	vld.idx.msk [tilespmem:v29+s28+$0x0], $0xffff  }
0x1be: {  	v34 =	vmov s24;
	v35 =	vor.u32 $0x1, v30;
	v27 =	vld.idx.msk [tilespmem:v27+s28+$0x0], $0xffff  }
0x1bf: {  	v29 =	vld.idx.msk [tilespmem:v33+s28+$0x0], $0xffff;
	v33 =	vor.u32 $0x8, v34  }
0x1c0: {  	v32 =	vld.idx.msk [tilespmem:v32+s28+$0x0], $0xffff;
	v34 =	vadd.s32 v14, v33  }
0x1c1: {  	v31 =	vld.idx.msk [tilespmem:v31+s28+$0x0], $0xffff;
	v36 =	vor.u32 $0x1, v34;
	v37 =	vor.u32 $0x2, v34;
	v38 =	vor.u32 $0x7, v34  }
0x1c2: {  	v41 =	vor.u32 $0x4, v34;
	v42 =	vor.u32 $0x5, v34;
	v39 =	vld.idx.msk [tilespmem:v28+s28+$0x0], $0xffff;
	v28 =	vor.u32 $0x3, v34  }
0x1c3: {  	v43 =	vor.u32 $0x6, v34;
	v44 =	vmul.f32 v26, v12;
	v35 =	vld.idx.msk [tilespmem:v35+s28+$0x0], $0xffff  }
0x1c4: {  	v45 =	vmul.f32 v27, v11;
	v30 =	vld.idx.msk [tilespmem:v30+s28+$0x0], $0xffff  }
0x1c5: {  	v46 =	vmul.f32 v29, v10;
	v34 =	vld.idx.msk [tilespmem:v34+s28+$0x0], $0xffff  }
0x1c6: {  	v47 =	vmul.f32 v32, v9;
	v44 =	vadd.f32 v44, v45;
	v38 =	vld.idx.msk [tilespmem:v38+s28+$0x0], $0xffff  }
0x1c7: {  	v37 =	vld.idx.msk [tilespmem:v37+s28+$0x0], $0xffff  }
0x1c8: {  	v48 =	vmul.f32 v31, v8;
	v45 =	vmul.f32 v39, v7;
	v46 =	vadd.f32 v46, v47;
	v42 =	vld.idx.msk [tilespmem:v42+s28+$0x0], $0xffff  }
0x1c9: {  	v47 =	vmul.f32 v35, v6;
	v36 =	vld.idx.msk [tilespmem:v36+s28+$0x0], $0xffff  }
0x1ca: {  	v49 =	vmul.f32 v30, v5;
	v45 =	vadd.f32 v48, v45;
	v44 =	vadd.f32 v44, v46;
	v43 =	vld.idx.msk [tilespmem:v43+s28+$0x0], $0xffff  }
0x1cb: {  	v46 =	vor.u32 s15, v4;
	v41 =	vld.idx.msk [tilespmem:v41+s28+$0x0], $0xffff  }
0x1cc: {  	v47 =	vadd.f32 v47, v49;
	v48 =	vld.idx.msk [tilespmem:v28+s28+$0x0], $0xffff;
	v28 =	vmul.f32 v38, v21;
	_ =	sdelay $0x1  }
0x1cd: {  	v49 =	vmul.f32 v34, v13;
	v45 =	vadd.f32 v45, v47  }
0x1ce: {  	v50 =	vmul.f32 v37, v16;
	v47 =	vmul.f32 v36, v15;
	v40 =	vld.idx.msk [tilespmem:v40+s28+$0x0], $0xffff  }
0x1cf: {  	v51 =	vmul.f32 v42, v19;
	v52 =	vmul.f32 v43, v20;
	v44 =	vadd.f32 v44, v45;
	v46 =	vld.idx.msk [tilespmem:v46+s21+$0x0], $0xffff  }
0x1d0: {  	v45 =	vmul.f32 v41, v18  }
0x1d1: {  	v47 =	vadd.f32 v47, v49;
	v53 =	vmul.f32 v48, v17;
	v28 =	vadd.f32 v28, v52  }
0x1d2: {  	v45 =	vadd.f32 v51, v45  }
0x1d3: {  	v49 =	vadd.f32 v53, v50  }
0x1d4: {  	v28 =	vadd.f32 v28, v45  }
0x1d5: {  	v40 =	vadd.f32 v40, v46;
	v45 =	vadd.f32 v49, v47;
	_ =	sdelay $0x1  }
0x1d6: {  	v46 =	vmul.f32 $2.000000030e-01, v40;
	v28 =	vadd.f32 v28, v45  }
0x1d7: {  	vm0 =	vge.f32 v40, $0.0e+00  }
0x1d8: {  	v40 =	vsel vm0, v40, v46;
	v28 =	vadd.f32 v28, v44;
	_ =	sdelay $0x1  }
0x1d9: {  	v28 =	vadd.f32 v28, v40;
	_ =	sdelay $0x1  }
0x1da: {  	v28 =	vmul.f32 $1.442695020e+00, v28;
	_ =	sdelay $0x1  }
0x1db: {  	(erf) = vpow2.f32 v28;
	_ =	sdelay $0x5  }
0x1dc: {  	v40 =	vadd.s32 s24, v22  }
0x1dd: {  	v44 =	vor.u32 $0x1, v40  }
0x1de: {  	v45 =	vor.u32 $0x2, v40  }
0x1df: {  	v46 =	vor.u32 $0x3, v40;
	v47 =	vor.u32 $0x5, v40;
	v28 =	vpop (erf)  }
0x1e0: {  	v49 =	vor.u32 $0x4, v40;
	v30 =	vmul.f32 v28, v30;
	v35 =	vmul.f32 v28, v35  }
0x1e1: {  	v51 =	vadd.s32 v22, v33;
	v39 =	vmul.f32 v28, v39;
	v50 =	vmul.f32 v28, v34  }
0x1e2: {  	v52 =	vor.u32 $0x6, v40;
	v31 =	vmul.f32 v28, v31;
	v53 =	vmul.f32 v28, v36;
	[tilespmem:v40+s18+$0x0] =	vst.idx.msk $0xffff, v30  }
0x1e3: {  	v32 =	vmul.f32 v28, v32;
	v36 =	vor.u32 $0x7, v40;
	v30 =	vmul.f32 v28, v37;
	[tilespmem:v44+s18+$0x0] =	vst.idx.msk $0xffff, v35  }
0x1e4: {  	v33 =	vmul.f32 v28, v29;
	v29 =	vmul.f32 v28, v48;
	[tilespmem:v45+s18+$0x0] =	vst.idx.msk $0xffff, v39  }
0x1e5: {  	v35 =	vmul.f32 v28, v27;
	v27 =	vmul.f32 v28, v41;
	v39 =	vor.u32 $0x1, v51;
	[tilespmem:v46+s18+$0x0] =	vst.idx.msk $0xffff, v31  }
0x1e6: {  	v34 =	vor.u32 $0x2, v51;
	v37 =	vmul.f32 v28, v26;
	v26 =	vmul.f32 v28, v42;
	[tilespmem:v49+s18+$0x0] =	vst.idx.msk $0xffff, v32  }
.Ltmp7:
0x1e7: {  	v31 =	vmul.f32 v28, v38;
	v32 =	vmul.f32 v28, v43;
	[tilespmem:v47+s18+$0x0] =	vst.idx.msk $0xffff, v33;
	v33 =	vor.u32 $0x3, v51;
	(pc) =	sbr.rel @p0 .LBB2_15-.Ltmp7, $4  }
0x1e8: {  	[tilespmem:v52+s18+$0x0] =	vst.idx.msk $0xffff, v35;
	v35 =	vor.u32 $0x4, v51  }
0x1e9: {  	[tilespmem:v36+s18+$0x0] =	vst.idx.msk $0xffff, v37;
	v36 =	vor.u32 $0x5, v51  }
0x1ea: {  	v37 =	vor.u32 $0x6, v51;
	[tilespmem:v51+s18+$0x0] =	vst.idx.msk $0xffff, v50  }
0x1eb: {  	v38 =	vor.u32 $0x7, v51;
	[tilespmem:v39+s18+$0x0] =	vst.idx.msk $0xffff, v53  }
0x1ec: {  	_ =	sdelay $0x3  }
0x1ed: {  	[tilespmem:v34+s18+$0x0] =	vst.idx.msk $0xffff, v30  }
0x1ee: {  	s16 =	sadd.s32 $0x1, s16;
	[tilespmem:v33+s18+$0x0] =	vst.idx.msk $0xffff, v29  }
0x1ef: {  	v4 =	vadd.s32 $0x88, v22;
	p0 =	sne.s32 s16, $0x5;
	[tilespmem:v35+s18+$0x0] =	vst.idx.msk $0xffff, v27  }
.Ltmp8:
0x1f0: {  	[tilespmem:v36+s18+$0x0] =	vst.idx.msk $0xffff, v26;
	(pc) =	sbr.rel @p0 .LBB2_14-.Ltmp8, $4  }
0x1f1: {  	[tilespmem:v37+s18+$0x0] =	vst.idx.msk $0xffff, v32  }
0x1f2: {  	[tilespmem:v38+s18+$0x0] =	vst.idx.msk $0xffff, v31  }
0x1f3: {  	[tilespmem:v24+s18+$0x0] =	vst.idx.msk $0xffff, v28  }
0x1f4: {  	[tilespmem:v4+s18+$0x0] =	vst.idx.msk $0xffff, v2  }
0x1f5: {  	s13 =	simm.s32 @!p1 $0x50;
	s15 =	simm.s32 @!p1 $0x15F90;
	s16 =	simm.s32 @!p1 $0x1CF70  }
0x1f6: {  	[spmem:s2] =	stream.indirect.scatter.add.f32 @!p1 [tilespmem:s16], [sflag:$0xA], $0x90, s15, s13, $0xb8;
	[tilespmem:$0x1FC70] =	vst v63  }
0x1f7: {  	p0 =	sgt.u32 s3, $0x7A;
	s17 =	sld [smem:$0x7F9];
	s13 =	simm.s32 @p3 $0x50  }
0x1f8: {  	s15 =	simm.s32 @p3 $0x16030;
	s16 =	simm.s32 @p3 $0x1CF70;
	s3 =	sand.u32 @!p0 $0xFF, s12  }
0x1f9: {  	[spmem:s2] =	stream.indirect.scatter.add.f32 @p3 [tilespmem:s16], [sflag:$0xA], $0x90, s15, s13, $0xb8;
	[tilespmem:$0x1FC70] =	vst v63  }
0x1fa: {  	p1 =	sne.s32 @!p0 s3, $0x0;
	p2 =	seq.s32 s17, $0x1  }
0x1fb: {  	p4 =	por !p6, !p6;
	p1 =	por p1, p0;
	s3 =	simm.s32 @p2 $0x50  }
0x1fc: {  	s12 =	simm.s32 @p2 $0x160D0;
	s13 =	simm.s32 @p2 $0x1CF70;
	s15 =	smul.u32 @!p1 $0x50, s11  }
0x1fd: {  	[spmem:s2] =	stream.indirect.scatter.add.f32 @p2 [tilespmem:s13], [sflag:$0xA], $0x90, s12, s3, $0xb8;
	[tilespmem:$0x1FC70] =	vst v63  }
0x1fe: {  	p5 =	por !p5, !p5;
	s12 =	simm.s32 @!p1 $0x50;
	s3 =	sadd.s32 @!p1 s8, s15  }
0x1ff: {  	p2 =	por p0, p4;
	s13 =	simm.s32 @!p1 $0x4E200;
	s3 =	sshrl.u32 @!p1 s3, $0x3  }
0x200: {  	s15 =	simm.s32 @!p1 $0x15F90;
	s16 =	smul.u32 @!p2 $0x50, s11;
	s3 =	sadd.s32 @!p1 s1, s3  }
0x201: {  	[tilespmem:s15], [sflag:$0x1] =	stream.strided.gather @!p1 [hbm4b:s3+s12], $0xA0, s13, s12, $0x38;
	[tilespmem:$0x1FC70] =	vst v63  }
0x202: {  	s24 =	sld [smem:$0x7FB];
	s3 =	sadd.s32 @!p2 s8, s16;
	s12 =	simm.s32 @!p2 $0x50  }
0x203: {  	p1 =	por p0, p5;
	s13 =	simm.s32 @!p2 $0x4E200;
	s3 =	sshrl.u32 @!p2 s3, $0x3  }
0x204: {  	s15 =	simm.s32 @!p2 $0x16030;
	s16 =	smul.u32 @!p1 $0x50, s11;
	s3 =	sadd.s32 @!p2 s1, s3  }
0x205: {  	[tilespmem:s15], [sflag:$0x2] =	stream.strided.gather @!p2 [hbm4b:s3+s12], $0xA0, s13, s12, $0x38;
	[tilespmem:$0x1FC70] =	vst v63  }
0x206: {  	s3 =	sadd.s32 @!p1 s8, s16;
	p2 =	sne.s32 @!p0 s10, $0x0;
	s10 =	simm.s32 @!p1 $0x50  }
0x207: {  	s12 =	simm.s32 @!p1 $0x4E200;
	s3 =	sshrl.u32 @!p1 s3, $0x3;
	p2 =	por p2, p0  }
0x208: {  	s13 =	simm.s32 @!p1 $0x160D0;
	s3 =	sadd.s32 @!p1 s1, s3;
	s15 =	smul.u32 @!p2 $0x50, s11  }
0x209: {  	[tilespmem:s13], [sflag:$0x3] =	stream.strided.gather @!p1 [hbm4b:s3+s10], $0xA0, s12, s10, $0x38;
	[tilespmem:$0x1FC70] =	vst v63  }
0x20a: {  	p6 =	seq.s32 s24, $0x1;
	s3 =	sadd.s32 @!p2 s8, s15  }
0x20b: {  	p1 =	por !p6, !p6;
	s3 =	sshll.u32 @!p2 s3, $0x1  }
0x20c: {  	s10 =	simm.s32 @!p2 $0x0;
	p0 =	por p0, p1;
	s3 =	sand.u32 @!p2 $0x1FFFFFE0, s3  }
0x20d: {  	s12 =	simm.s32 @!p2 $0x16170;
	s11 =	smul.u32 @!p0 $0x50, s11;
	s3 =	sadd.s32 @!p2 s7, s3  }
0x20e: {  	[tilespmem:s12], [sflag:$0x4] =	stream.linear.gather @!p2 [hbm4b:s3+s10], $0x500, $0x38;
	[tilespmem:$0x1FC70] =	vst v63  }
0x20f: {  	s3 =	sadd.s32 @!p0 s8, s11  }
0x210: {  	s3 =	sshll.u32 @!p0 s3, $0x1  }
0x211: {  	s3 =	sand.u32 @!p0 $0x1FFFFFE0, s3  }
0x212: {  	s10 =	simm.s32 @!p0 $0x0;
	s11 =	simm.s32 @!p0 $0x16670;
	s3 =	sadd.s32 @!p0 s7, s3  }
0x213: {  	[tilespmem:s11], [sflag:$0x5] =	stream.linear.gather @!p0 [hbm4b:s3+s10], $0x500, $0x38;
	[tilespmem:$0x1FC70] =	vst v63  }
0x214: {  	p0 =	sne.s32 s9, $0x7D  }
.Ltmp9:
0x215: {  	_ = 	snop;
	(pc) =	sbr.rel @p0 .LBB2_4-.Ltmp9, $2  }
0x216: {  	_ =	sdelay $0x2  }
0x217: {  	s3 =	smov.u32 s9  }
0x218: {  	_ =	swait.ge [sflag:s0], $0x2D00  }
0x219: {  	[sflag:s0] =	ssyncset.done $0x0  }
0x21a: {  	[sflag:s0] =	ssyncadd.s32 $0xFFFFD300  }
0x21b: {  	s3 =	simm.s32 $0x1C2;
	s9 =	stileid.u32;
	[bflag:$0x0] =	sbarrier.arrive $0xFFFF  }
0x21c: {  	s11 =	sadd.s32 $0x0, s25;
	s9 =	sshll.u32 s9, $0x6;
	s13 =	rddreg [dreg:$0x9]  }
0x21d: {  	s12 =	sshrl.u32 s14, $0x3;
	s9 =	sor.u32 $0x1C01, s9;
	s10 =	smov.u32 s13  }
.LBB2_19:
0x21e: {  	[hbm:s11], [sflag:s9] =	dma.local [spmem:s12], $0x1C2  }
0x21f: {  	s11 =	smov.u32 s3;
	s12 =	smov.u32 s10;
	p0 =	sne.s32 s3, $0x2A30  }
.Ltmp10:
0x220: {  	s3 =	sadd.s32 $0x1C2, s3;
	(pc) =	sbr.rel @p0 .LBB2_19-.Ltmp10, $3  }
0x221: {  	_ =	sdelay $0x1  }
0x222: {  	s10 =	sadd.s32 $0xE10, s10  }
0x223: {  	s11 =	sadd.s32 s11, s25;
	s12 =	sshrl.u32 s12, $0x3  }
0x224: {  	[hbm:s11], [sflag:s9] =	dma.local [spmem:s12], $0x1C2  }
0x225: {  	_ =	swait.ge [sflag:s19], $0x1C2  }
0x226: {  	[sflag:s19] =	ssyncset.done $0x0  }
0x227: {  	[sflag:s19] =	ssyncadd.s32 $0xFFFFFE3E  }
0x228: {  	_ =	swait.ge [sflag:s19], $0x1C2  }
0x229: {  	[sflag:s19] =	ssyncset.done $0x0  }
0x22a: {  	[sflag:s19] =	ssyncadd.s32 $0xFFFFFE3E  }
0x22b: {  	_ =	swait.ge [sflag:s19], $0x1C2  }
0x22c: {  	[sflag:s19] =	ssyncset.done $0x0  }
0x22d: {  	[sflag:s19] =	ssyncadd.s32 $0xFFFFFE3E  }
0x22e: {  	_ =	swait.ge [sflag:s19], $0x1C2  }
0x22f: {  	[sflag:s19] =	ssyncset.done $0x0  }
0x230: {  	[sflag:s19] =	ssyncadd.s32 $0xFFFFFE3E  }
0x231: {  	_ =	swait.ge [sflag:s19], $0x1C2  }
0x232: {  	[sflag:s19] =	ssyncset.done $0x0  }
0x233: {  	[sflag:s19] =	ssyncadd.s32 $0xFFFFFE3E  }
0x234: {  	_ =	swait.ge [sflag:s19], $0x1C2  }
0x235: {  	[sflag:s19] =	ssyncset.done $0x0  }
0x236: {  	[sflag:s19] =	ssyncadd.s32 $0xFFFFFE3E  }
0x237: {  	_ =	swait.ge [sflag:s19], $0x1C2  }
0x238: {  	[sflag:s19] =	ssyncset.done $0x0  }
0x239: {  	[sflag:s19] =	ssyncadd.s32 $0xFFFFFE3E  }
0x23a: {  	_ =	swait.ge [sflag:s19], $0x1C2  }
0x23b: {  	[sflag:s19] =	ssyncset.done $0x0  }
0x23c: {  	[sflag:s19] =	ssyncadd.s32 $0xFFFFFE3E  }
0x23d: {  	_ =	swait.ge [sflag:s19], $0x1C2  }
0x23e: {  	[sflag:s19] =	ssyncset.done $0x0  }
0x23f: {  	[sflag:s19] =	ssyncadd.s32 $0xFFFFFE3E  }
0x240: {  	_ =	swait.ge [sflag:s19], $0x1C2  }
0x241: {  	[sflag:s19] =	ssyncset.done $0x0  }
0x242: {  	[sflag:s19] =	ssyncadd.s32 $0xFFFFFE3E  }
0x243: {  	_ =	swait.ge [sflag:s19], $0x1C2  }
0x244: {  	[sflag:s19] =	ssyncset.done $0x0  }
0x245: {  	[sflag:s19] =	ssyncadd.s32 $0xFFFFFE3E  }
0x246: {  	_ =	swait.ge [sflag:s19], $0x1C2  }
0x247: {  	[sflag:s19] =	ssyncset.done $0x0  }
0x248: {  	[sflag:s19] =	ssyncadd.s32 $0xFFFFFE3E  }
0x249: {  	_ =	swait.ge [sflag:s19], $0x1C2  }
0x24a: {  	[sflag:s19] =	ssyncset.done $0x0  }
0x24b: {  	[sflag:s19] =	ssyncadd.s32 $0xFFFFFE3E  }
0x24c: {  	_ =	swait.ge [sflag:s19], $0x1C2  }
0x24d: {  	[sflag:s19] =	ssyncset.done $0x0  }
0x24e: {  	[sflag:s19] =	ssyncadd.s32 $0xFFFFFE3E  }
0x24f: {  	_ =	swait.ge [sflag:s19], $0x1C2  }
0x250: {  	[sflag:s19] =	ssyncset.done $0x0  }
0x251: {  	[sflag:s19] =	ssyncadd.s32 $0xFFFFFE3E  }
0x252: {  	_ =	swait.ge [sflag:s19], $0x1C2  }
0x253: {  	[sflag:s19] =	ssyncset.done $0x0  }
0x254: {  	[sflag:s19] =	ssyncadd.s32 $0xFFFFFE3E  }
0x255: {  	_ =	swait.ge [sflag:s19], $0x1C2  }
0x256: {  	[sflag:s19] =	ssyncset.done $0x0  }
0x257: {  	[sflag:s19] =	ssyncadd.s32 $0xFFFFFE3E  }
0x258: {  	_ =	swait.ge [sflag:s19], $0x1C2  }
0x259: {  	[sflag:s19] =	ssyncset.done $0x0  }
0x25a: {  	[sflag:s19] =	ssyncadd.s32 $0xFFFFFE3E  }
0x25b: {  	_ =	swait.ge [sflag:s19], $0x1C2  }
0x25c: {  	[sflag:s19] =	ssyncset.done $0x0  }
0x25d: {  	[sflag:s19] =	ssyncadd.s32 $0xFFFFFE3E  }
0x25e: {  	_ =	swait.ge [sflag:s19], $0x1C2  }
0x25f: {  	[sflag:s19] =	ssyncset.done $0x0  }
0x260: {  	[sflag:s19] =	ssyncadd.s32 $0xFFFFFE3E  }
0x261: {  	_ =	swait.ge [sflag:s19], $0x1C2  }
0x262: {  	[sflag:s19] =	ssyncset.done $0x0  }
0x263: {  	[sflag:s19] =	ssyncadd.s32 $0xFFFFFE3E  }
0x264: {  	_ =	swait.ge [sflag:s19], $0x1C2  }
0x265: {  	[sflag:s19] =	ssyncset.done $0x0  }
0x266: {  	[sflag:s19] =	ssyncadd.s32 $0xFFFFFE3E  }
0x267: {  	_ =	swait.ge [sflag:s19], $0x1C2  }
0x268: {  	[sflag:s19] =	ssyncset.done $0x0  }
0x269: {  	[sflag:s19] =	ssyncadd.s32 $0xFFFFFE3E  }
0x26a: {  	_ =	swait.ge [sflag:s19], $0x1C2  }
0x26b: {  	[sflag:s19] =	ssyncset.done $0x0  }
0x26c: {  	[sflag:s19] =	ssyncadd.s32 $0xFFFFFE3E  }
0x26d: {  	_ =	swait.ge [sflag:s19], $0x1C2  }
0x26e: {  	s4 =	sadd.s32 $0x1, s4;
	s3 =	rddreg [dreg:$0x8]  }
0x26f: {  	p0 =	sne.s32 s4, s3  }
.Ltmp11:
0x270: {  	_ = 	snop;
	(pc) =	sbr.rel @p0 .LBB2_1-.Ltmp11, $3  }
0x271: {  	_ =	sdelay $0x1  }
0x272: {  	[sflag:s19] =	ssyncset.done $0x0  }
0x273: {  	[sflag:s19] =	ssyncadd.s32 $0xFFFFFE3E  }
0x274: {  	_ =	sfence.sel $0x180000  }
0x275: {  	[bflag:$0x0] =	sbarrier.arrive $0xFFFF  }
0x276: {  	_ =	strace $0x90000047  }
0x277: {  	s0 =	stileid.u32;
	[bflag:$0x2] =	sbarrier.arrive $0xFFFF  }
0x278: {  	p0 =	sne.s32 s0, $0x0;
	s0 =	rddreg [dreg:$0x3]  }
0x279: {  	s0 =	sadd.s32 @!p0 $0x100000, s0  }
0x27a: {  	[sflag:s0] =	ssyncadd.tile.s32 @!p0 $0x1;
	_ =	shalt  }
.Lfunc_end2:
_tile_overlayer_lowered:
.L_overlay_start_2:
0x27b: {  	(tag) =	ssettag $0x2  }
0x27c: {  	s0 =	rddreg [dreg:$0x0];
	s2 =	stileid.u32  }
0x27d: {  	s1 =	rddreg [dreg:$0x1];
	p0 =	sne.s32 s2, $0x0  }
0x27e: {  	s3 =	rddreg [dreg:$0x2];
	[bflag:$0x3] =	sbarrier.arrive $0xFFFF;
	s2 =	simm.s32 @!p0 $0x1C0B  }
0x27f: {  	[timem:s3], [sflag:s2] =	dma.local @!p0 [hbm:s0], s1  }
0x280: {  	s0 =	simm.s32 @!p0 $0xB  }
0x281: {  	_ =	swait.ge @!p0 [sflag:s0], s1  }
0x282: {  	s1 =	ssub.s32 @!p0 $0x0, s1;
	[sflag:s0] =	ssyncset.done @!p0 $0x0  }
0x283: {  	[sflag:s0] =	ssyncadd.s32 @!p0 s1  }
0x284: {  	[bflag:$0x3] =	sbarrier.arrive $0xFFFF  }
0x285: {  	_ =	shalt  }

</sc_bundles>
